<compile_context>
chip_gen: v7x
topology: tpu7x:2x2x1
jax: 0.10.2.dev20260603
libtpu: 0.0.44.dev20260713+nightly
codegen_flags: <defaults>
</compile_context>

<pallas_src>
import functools
import math

import jax
import jax.numpy as jnp
from jax import lax
from jax.experimental import pallas as pl
from jax.experimental.pallas import tpu as pltpu
from jax.experimental.pallas import tpu_sc as plsc

V = 4096
D = 2048
BATCH = 4
B_TOTAL = BATCH * 4096
FMT_EPS = 0.1
INP_EPS = 0.1
MIN_VALUE = 1e-10


_ROWS_BLK = 512


def _combine_body(mask_ref, emb_ref, delta_ref, out_ref):
    delta = delta_ref[...]
    norm = jnp.sqrt(jnp.sum(delta * delta, axis=1, keepdims=True))
    m = mask_ref[...]
    fmt = jnp.float32(FMT_EPS * math.sqrt(D / 2048.0))
    inp = jnp.float32(INP_EPS * math.sqrt(D / 2048.0))
    eps = jnp.full(m.shape, MIN_VALUE, dtype=jnp.float32)
    pos = m > 0
    r = jnp.remainder(m, 4)
    eps = jnp.where(pos & (r == 1), fmt, eps)
    eps = jnp.where(pos & (r == 3), fmt, eps)
    eps = jnp.where(pos & (r == 2), inp, eps)
    scale = eps / jnp.maximum(norm, eps)
    out_ref[...] = emb_ref[...] + delta * scale


def _combined_table(embedding, delta, mask2d):
    return pl.pallas_call(
        _combine_body,
        grid=(V // _ROWS_BLK,),
        in_specs=[
            pl.BlockSpec((_ROWS_BLK, 1), lambda i: (i, 0)),
            pl.BlockSpec((_ROWS_BLK, D), lambda i: (i, 0)),
            pl.BlockSpec((_ROWS_BLK, D), lambda i: (i, 0)),
        ],
        out_specs=pl.BlockSpec((_ROWS_BLK, D), lambda i: (i, 0)),
        out_shape=jax.ShapeDtypeStruct((V, D), jnp.float32),
    )(mask2d, embedding, delta)



_NC = 2
_NS = 16
_NW = _NC * _NS
_BPW = B_TOTAL // _NW
_K = 8
_NCH = _BPW // _K
_NB = 7
_LEAD = _NB - 2
_TAIL0 = ((_NCH - _LEAD) // _NB) * _NB
assert _TAIL0 >= _NB and _TAIL0 % _NB == 0


_WPB = 4096 // _BPW


def _gather_body(table, idx, out, idx_v, *rest):
    bufs = rest[:_NB]
    gsems = rest[_NB:2 * _NB]
    ssems = rest[2 * _NB:]
    wid = lax.axis_index("s") * _NC + lax.axis_index("c")
    batch = wid // _WPB
    col0 = (wid % _WPB) * _BPW
    pltpu.sync_copy(idx.at[batch, pl.ds(col0, _BPW)], idx_v)

    def gather(j, b):
        pltpu.async_copy(table.at[idx_v.at[pl.ds(j * _K, _K)]], bufs[b], gsems[b])

    def wait_gather(j, b):
        pltpu.make_async_copy(
            table.at[idx_v.at[pl.ds(j * _K, _K)]], bufs[b], gsems[b]
        ).wait()

    def scatter(j, b):
        pltpu.async_copy(
            bufs[b], out.at[batch, pl.ds(col0 + j * _K, _K)], ssems[b]
        )

    def wait_scatter(j, b):
        pltpu.make_async_copy(
            bufs[b], out.at[batch, pl.ds(col0 + j * _K, _K)], ssems[b]
        ).wait()

    def position(j, b, do_wait, do_gather):
        if do_wait:
            wait_scatter(j - 2, (b - 2) % _NB)
        if do_gather:
            gather(j + _LEAD, (b + _LEAD) % _NB)
        wait_gather(j, b)
        scatter(j, b)

    for j in range(_LEAD):
        gather(j, j % _NB)
    for b in range(_NB):
        position(b, b, b >= 2, True)

    def rev(r, carry):
        j0 = r * _NB
        for b in range(_NB):
            position(j0 + b, b, True, True)
        return carry

    lax.fori_loop(1, _TAIL0 // _NB, rev, 0)

    for j in range(_TAIL0, _NCH):
        position(j, j % _NB, True, j + _LEAD < _NCH)
    wait_scatter(_NCH - 2, (_NCH - 2) % _NB)
    wait_scatter(_NCH - 1, (_NCH - 1) % _NB)




@functools.lru_cache(maxsize=1)
def _make_gather_kernel():
    mesh = plsc.VectorSubcoreMesh(core_axis_name="c", subcore_axis_name="s")
    return pl.kernel(
        _gather_body,
        out_type=jax.ShapeDtypeStruct((BATCH, 4096, D), jnp.float32),
        mesh=mesh,
        scratch_types=(
            [pltpu.VMEM((_BPW,), jnp.int32)]
            + [pltpu.VMEM((_K, D), jnp.float32)] * _NB
            + [pltpu.SemaphoreType.DMA] * (2 * _NB)
        ),
    )


def kernel(indices, embedding, delta_embedding, cpt_tokens_type_mask):
    mask2d = cpt_tokens_type_mask.reshape(V, 1)
    combined = _combined_table(embedding, delta_embedding, mask2d)
    return _make_gather_kernel()(combined, indices.astype(jnp.int32))

# --- scband reference (transcript-rebuilt; emitter-appended) ---
"""Pipeline reference for scband-cptembedding-25228637896880 (READ-ONLY COPY).

The authoritative reference and input builder live on the scoring server;
editing this copy changes nothing except your own understanding.
"""

import jax, jax.numpy as jnp
import numpy as np

NUM_VIRTUAL_TOKENS = 4096
TOKEN_DIM = 2048
BATCH = 4
FMT_EPS = 0.1
INP_EPS = 0.1


def setup_inputs(seed: int = 0) -> dict:
    key = jax.random.key(seed)
    k1, k2, k3, k4 = jax.random.split(key, 4)
    indices = jax.random.randint(k1, (BATCH, NUM_VIRTUAL_TOKENS), 0, NUM_VIRTUAL_TOKENS, dtype=jnp.int64 if jax.config.jax_enable_x64 else jnp.int32)
    embedding = jax.random.normal(k2, (NUM_VIRTUAL_TOKENS, TOKEN_DIM), dtype=jnp.float32)
    delta_embedding = jax.random.normal(k3, (NUM_VIRTUAL_TOKENS, TOKEN_DIM), dtype=jnp.float32)
    cpt_tokens_type_mask = jax.random.randint(k4, (NUM_VIRTUAL_TOKENS,), 0, 8, dtype=jnp.int32)
    return {"indices": indices, "embedding": embedding, "delta_embedding": delta_embedding, "cpt_tokens_type_mask": cpt_tokens_type_mask}


def _get_epsilon(cpt_tokens_type_mask):
    MIN_VALUE = 1e-10
    normalized_format_eps = FMT_EPS * jnp.sqrt(jnp.asarray(TOKEN_DIM / 2048.0, dtype=jnp.float32))
    normalized_input_eps = INP_EPS * jnp.sqrt(jnp.asarray(TOKEN_DIM / 2048.0, dtype=jnp.float32))
    m = cpt_tokens_type_mask
    eps = jnp.full(m.shape, MIN_VALUE, dtype=jnp.float32)
    eps = jnp.where((m > 0) & (jnp.remainder(m, 4) == 1), normalized_format_eps, eps)
    eps = jnp.where((m > 0) & (jnp.remainder(m, 4) == 3), normalized_format_eps, eps)
    eps = jnp.where((m > 0) & (jnp.remainder(m, 4) == 2), normalized_input_eps, eps)
    return eps


def _get_projection(delta_w, cpt_tokens_type_mask):
    token_norm = jnp.linalg.norm(delta_w, ord=2, axis=1)
    projection_mask = token_norm > 0
    eps = _get_epsilon(cpt_tokens_type_mask)
    scale = eps / jnp.maximum(token_norm, eps)
    new_w = jnp.where(projection_mask[:, None], delta_w * scale[:, None], delta_w)
    return new_w


def reference(indices, embedding, delta_embedding, cpt_tokens_type_mask):
    # prompt embeddings computed under no_grad in torch
    prompt_embeddings = jnp.take(embedding, indices, axis=0)
    # delta weights are projected (norm-clipped) before lookup
    projected = _get_projection(delta_embedding, cpt_tokens_type_mask)
    delta_prompt_embeddings = jnp.take(projected, indices, axis=0)
    return prompt_embeddings + delta_prompt_embeddings

if __name__ == "__main__":
    import jax
    _d = setup_inputs()
    print(jax.jit(kernel)(*tuple(_d.values())))

</pallas_src>

<mosaic_0001>
#map = affine_map<(d0, d1) -> (0, 0)>
#map1 = affine_map<(d0, d1) -> (0, 0, 0)>
module attributes {stable_mosaic.version = 14 : i64} {
  func.func @_gather_body(%arg0: i32, %arg1: i32, %arg2: memref<4096x2048xf32, #tpu.memory_space<hbm>>, %arg3: memref<4x4096xi32, #tpu.memory_space<hbm>>, %arg4: memref<4x4096x2048xf32, #tpu.memory_space<hbm>>, %arg5: memref<512xi32, #tpu.memory_space<vmem>>, %arg6: memref<8x2048xf32, #tpu.memory_space<vmem>>, %arg7: memref<8x2048xf32, #tpu.memory_space<vmem>>, %arg8: memref<8x2048xf32, #tpu.memory_space<vmem>>, %arg9: memref<8x2048xf32, #tpu.memory_space<vmem>>, %arg10: memref<8x2048xf32, #tpu.memory_space<vmem>>, %arg11: memref<8x2048xf32, #tpu.memory_space<vmem>>, %arg12: memref<8x2048xf32, #tpu.memory_space<vmem>>, %arg13: memref<!tpu.dma_semaphore, #tpu.memory_space<semaphore_mem>>, %arg14: memref<!tpu.dma_semaphore, #tpu.memory_space<semaphore_mem>>, %arg15: memref<!tpu.dma_semaphore, #tpu.memory_space<semaphore_mem>>, %arg16: memref<!tpu.dma_semaphore, #tpu.memory_space<semaphore_mem>>, %arg17: memref<!tpu.dma_semaphore, #tpu.memory_space<semaphore_mem>>, %arg18: memref<!tpu.dma_semaphore, #tpu.memory_space<semaphore_mem>>, %arg19: memref<!tpu.dma_semaphore, #tpu.memory_space<semaphore_mem>>, %arg20: memref<!tpu.dma_semaphore, #tpu.memory_space<semaphore_mem>>, %arg21: memref<!tpu.dma_semaphore, #tpu.memory_space<semaphore_mem>>, %arg22: memref<!tpu.dma_semaphore, #tpu.memory_space<semaphore_mem>>, %arg23: memref<!tpu.dma_semaphore, #tpu.memory_space<semaphore_mem>>, %arg24: memref<!tpu.dma_semaphore, #tpu.memory_space<semaphore_mem>>, %arg25: memref<!tpu.dma_semaphore, #tpu.memory_space<semaphore_mem>>, %arg26: memref<!tpu.dma_semaphore, #tpu.memory_space<semaphore_mem>>) attributes {dimension_semantics = [#tpu.dimension_semantics<core_parallel>, #tpu.dimension_semantics<subcore_parallel>], iteration_bounds = array<i64: 2, 16>, scalar_prefetch = 0 : i64, scratch_operands = 22 : i64, tpu.core_type = #tpu.core_type<sc_vector_subcore>, window_params = [{transform_indices = #map}, {transform_indices = #map}, {transform_indices = #map1}]} {
    %mul3A = arith.constant 2 : i32
    %mul3A_0 = arith.muli %arg1, %mul3A : i32
    %add3A = arith.addi %mul3A_0, %arg0 : i32
    %jit3A = arith.constant 8 : i32
    %div3A = arith.divsi %add3A, %jit3A : i32
    %sign3A = arith.constant 0 : i32
    %sign3A_1 = arith.cmpi sgt, %add3A, %sign3A : i32
    %sign3A_2 = arith.extui %sign3A_1 : i1 to i32
    %sign3A_3 = arith.constant 0 : i32
    %sign3A_4 = arith.cmpi slt, %add3A, %sign3A_3 : i32
    %sign3A_5 = arith.extui %sign3A_4 : i1 to i32
    %sign3A_6 = arith.subi %sign3A_2, %sign3A_5 : i32
    %sign3A_7 = arith.constant 0 : i32
    %sign3A_8 = arith.cmpi sgt, %jit3A, %sign3A_7 : i32
    %sign3A_9 = arith.extui %sign3A_8 : i1 to i32
    %sign3A_10 = arith.constant 0 : i32
    %sign3A_11 = arith.cmpi slt, %jit3A, %sign3A_10 : i32
    %sign3A_12 = arith.extui %sign3A_11 : i1 to i32
    %sign3A_13 = arith.subi %sign3A_9, %sign3A_12 : i32
    %ne3A = arith.cmpi ne, %sign3A_6, %sign3A_13 : i32
    %rem3A = arith.remsi %add3A, %jit3A : i32
    %ne3A_14 = arith.constant 0 : i32
    %ne3A_15 = arith.cmpi ne, %rem3A, %ne3A_14 : i32
    %and3A = arith.andi %ne3A, %ne3A_15 : i1
    %sub3A = arith.constant 1 : i32
    %sub3A_16 = arith.subi %div3A, %sub3A : i32
    %select_n3A = arith.select %and3A, %sub3A_16, %div3A : i32
    %jit3A_17 = arith.constant 8 : i32
    %eq3A = arith.constant 0 : i32
    %eq3A_18 = arith.cmpi eq, %jit3A_17, %eq3A : i32
    %jit3A_19 = arith.constant 1 : i32
    %select_n3A_20 = arith.select %eq3A_18, %jit3A_19, %jit3A_17 : i32
    %rem3A_21 = arith.remsi %add3A, %select_n3A_20 : i32
    %ne3A_22 = arith.constant 0 : i32
    %ne3A_23 = arith.cmpi ne, %rem3A_21, %ne3A_22 : i32
    %lt3A = arith.constant 0 : i32
    %lt3A_24 = arith.cmpi slt, %rem3A_21, %lt3A : i32
    %lt3A_25 = arith.constant 0 : i32
    %lt3A_26 = arith.cmpi slt, %select_n3A_20, %lt3A_25 : i32
    %ne3A_27 = arith.xori %lt3A_24, %lt3A_26 : i1
    %and3A_28 = arith.andi %ne3A_27, %ne3A_23 : i1
    %add3A_29 = arith.addi %rem3A_21, %select_n3A_20 : i32
    %select_n3A_30 = arith.select %and3A_28, %add3A_29, %rem3A_21 : i32
    %mul3A_31 = arith.constant 512 : i32
    %mul3A_32 = arith.muli %select_n3A_30, %mul3A_31 : i32
    "tpu.region"() ({
      %run_scoped3A = tpu.sem_alloc : memref<!tpu.dma_semaphore, #tpu.memory_space<semaphore_mem>>
      %dma_start3A_426 = tpu.memref_slice %arg3[%select_n3A, %mul3A_32] : memref<4x4096xi32, #tpu.memory_space<hbm>> -> memref<1x512xi32, #tpu.memory_space<hbm>>
      %dma_start3A_427 = tpu.memref_squeeze %dma_start3A_426 : memref<1x512xi32, #tpu.memory_space<hbm>> -> memref<512xi32, #tpu.memory_space<hbm>>
      %dma_start3A_428 = tpu.memref_slice %arg3[%select_n3A, %mul3A_32] : memref<4x4096xi32, #tpu.memory_space<hbm>> -> memref<1x512xi32, #tpu.memory_space<hbm>>
      %dma_start3A_429 = tpu.memref_squeeze %dma_start3A_428 : memref<1x512xi32, #tpu.memory_space<hbm>> -> memref<512xi32, #tpu.memory_space<hbm>>
      tpu.enqueue_dma source(%dma_start3A_429 : memref<512xi32, #tpu.memory_space<hbm>>) target(%arg5 : memref<512xi32, #tpu.memory_space<vmem>>) target_semaphore(%run_scoped3A : memref<!tpu.dma_semaphore, #tpu.memory_space<semaphore_mem>>)
      %dma_wait3A_430 = tpu.memref_slice %arg3[%select_n3A, %mul3A_32] : memref<4x4096xi32, #tpu.memory_space<hbm>> -> memref<1x512xi32, #tpu.memory_space<hbm>>
      %dma_wait3A_431 = tpu.memref_squeeze %dma_wait3A_430 : memref<1x512xi32, #tpu.memory_space<hbm>> -> memref<512xi32, #tpu.memory_space<hbm>>
      %dma_wait3A_432 = tpu.memref_slice %arg3[%select_n3A, %mul3A_32] : memref<4x4096xi32, #tpu.memory_space<hbm>> -> memref<1x512xi32, #tpu.memory_space<hbm>>
      %dma_wait3A_433 = tpu.memref_squeeze %dma_wait3A_432 : memref<1x512xi32, #tpu.memory_space<hbm>> -> memref<512xi32, #tpu.memory_space<hbm>>
      tpu.wait_dma2 semaphore(%run_scoped3A : memref<!tpu.dma_semaphore, #tpu.memory_space<semaphore_mem>>) src(%dma_wait3A_433 : memref<512xi32, #tpu.memory_space<hbm>>) dst(%arg5 : memref<512xi32, #tpu.memory_space<vmem>>)
      tpu.yield
    }) : () -> ()
    %dma_start3A = arith.constant 0 : i32
    %dma_start3A_33 = tpu.memref_slice %arg5[%dma_start3A] : memref<512xi32, #tpu.memory_space<vmem>> -> memref<8xi32, #tpu.memory_space<vmem>>
    %dma_start3A_34 = arith.constant 0 : i32
    %dma_start3A_35 = arith.constant 0 : i32
    %dma_start3A_36 = tpu.memref_slice %arg2[%dma_start3A_34, %dma_start3A_35] : memref<4096x2048xf32, #tpu.memory_space<hbm>> -> memref<4096x2048xf32, #tpu.memory_space<hbm>>
    tpu.enqueue_indirect_dma source(%dma_start3A_36 : memref<4096x2048xf32, #tpu.memory_space<hbm>>) target(%arg6 : memref<8x2048xf32, #tpu.memory_space<vmem>>) offsets(%dma_start3A_33 : memref<8xi32, #tpu.memory_space<vmem>>) semaphore(%arg13 : memref<!tpu.dma_semaphore, #tpu.memory_space<semaphore_mem>>)
    %dma_start3A_37 = arith.constant 8 : i32
    %dma_start3A_38 = tpu.memref_slice %arg5[%dma_start3A_37] : memref<512xi32, #tpu.memory_space<vmem>> -> memref<8xi32, #tpu.memory_space<vmem>>
    %dma_start3A_39 = arith.constant 0 : i32
    %dma_start3A_40 = arith.constant 0 : i32
    %dma_start3A_41 = tpu.memref_slice %arg2[%dma_start3A_39, %dma_start3A_40] : memref<4096x2048xf32, #tpu.memory_space<hbm>> -> memref<4096x2048xf32, #tpu.memory_space<hbm>>
    tpu.enqueue_indirect_dma source(%dma_start3A_41 : memref<4096x2048xf32, #tpu.memory_space<hbm>>) target(%arg7 : memref<8x2048xf32, #tpu.memory_space<vmem>>) offsets(%dma_start3A_38 : memref<8xi32, #tpu.memory_space<vmem>>) semaphore(%arg14 : memref<!tpu.dma_semaphore, #tpu.memory_space<semaphore_mem>>)
    %dma_start3A_42 = arith.constant 16 : i32
    %dma_start3A_43 = tpu.memref_slice %arg5[%dma_start3A_42] : memref<512xi32, #tpu.memory_space<vmem>> -> memref<8xi32, #tpu.memory_space<vmem>>
    %dma_start3A_44 = arith.constant 0 : i32
    %dma_start3A_45 = arith.constant 0 : i32
    %dma_start3A_46 = tpu.memref_slice %arg2[%dma_start3A_44, %dma_start3A_45] : memref<4096x2048xf32, #tpu.memory_space<hbm>> -> memref<4096x2048xf32, #tpu.memory_space<hbm>>
    tpu.enqueue_indirect_dma source(%dma_start3A_46 : memref<4096x2048xf32, #tpu.memory_space<hbm>>) target(%arg8 : memref<8x2048xf32, #tpu.memory_space<vmem>>) offsets(%dma_start3A_43 : memref<8xi32, #tpu.memory_space<vmem>>) semaphore(%arg15 : memref<!tpu.dma_semaphore, #tpu.memory_space<semaphore_mem>>)
    %dma_start3A_47 = arith.constant 24 : i32
    %dma_start3A_48 = tpu.memref_slice %arg5[%dma_start3A_47] : memref<512xi32, #tpu.memory_space<vmem>> -> memref<8xi32, #tpu.memory_space<vmem>>
    %dma_start3A_49 = arith.constant 0 : i32
    %dma_start3A_50 = arith.constant 0 : i32
    %dma_start3A_51 = tpu.memref_slice %arg2[%dma_start3A_49, %dma_start3A_50] : memref<4096x2048xf32, #tpu.memory_space<hbm>> -> memref<4096x2048xf32, #tpu.memory_space<hbm>>
    tpu.enqueue_indirect_dma source(%dma_start3A_51 : memref<4096x2048xf32, #tpu.memory_space<hbm>>) target(%arg9 : memref<8x2048xf32, #tpu.memory_space<vmem>>) offsets(%dma_start3A_48 : memref<8xi32, #tpu.memory_space<vmem>>) semaphore(%arg16 : memref<!tpu.dma_semaphore, #tpu.memory_space<semaphore_mem>>)
    %dma_start3A_52 = arith.constant 32 : i32
    %dma_start3A_53 = tpu.memref_slice %arg5[%dma_start3A_52] : memref<512xi32, #tpu.memory_space<vmem>> -> memref<8xi32, #tpu.memory_space<vmem>>
    %dma_start3A_54 = arith.constant 0 : i32
    %dma_start3A_55 = arith.constant 0 : i32
    %dma_start3A_56 = tpu.memref_slice %arg2[%dma_start3A_54, %dma_start3A_55] : memref<4096x2048xf32, #tpu.memory_space<hbm>> -> memref<4096x2048xf32, #tpu.memory_space<hbm>>
    tpu.enqueue_indirect_dma source(%dma_start3A_56 : memref<4096x2048xf32, #tpu.memory_space<hbm>>) target(%arg10 : memref<8x2048xf32, #tpu.memory_space<vmem>>) offsets(%dma_start3A_53 : memref<8xi32, #tpu.memory_space<vmem>>) semaphore(%arg17 : memref<!tpu.dma_semaphore, #tpu.memory_space<semaphore_mem>>)
    %dma_start3A_57 = arith.constant 40 : i32
    %dma_start3A_58 = tpu.memref_slice %arg5[%dma_start3A_57] : memref<512xi32, #tpu.memory_space<vmem>> -> memref<8xi32, #tpu.memory_space<vmem>>
    %dma_start3A_59 = arith.constant 0 : i32
    %dma_start3A_60 = arith.constant 0 : i32
    %dma_start3A_61 = tpu.memref_slice %arg2[%dma_start3A_59, %dma_start3A_60] : memref<4096x2048xf32, #tpu.memory_space<hbm>> -> memref<4096x2048xf32, #tpu.memory_space<hbm>>
    tpu.enqueue_indirect_dma source(%dma_start3A_61 : memref<4096x2048xf32, #tpu.memory_space<hbm>>) target(%arg11 : memref<8x2048xf32, #tpu.memory_space<vmem>>) offsets(%dma_start3A_58 : memref<8xi32, #tpu.memory_space<vmem>>) semaphore(%arg18 : memref<!tpu.dma_semaphore, #tpu.memory_space<semaphore_mem>>)
    %dma_wait3A = arith.constant 0 : i32
    %dma_wait3A_62 = tpu.memref_slice %arg5[%dma_wait3A] : memref<512xi32, #tpu.memory_space<vmem>> -> memref<8xi32, #tpu.memory_space<vmem>>
    %dma_wait3A_63 = arith.constant 0 : i32
    %dma_wait3A_64 = arith.constant 0 : i32
    %dma_wait3A_65 = tpu.memref_slice %arg2[%dma_wait3A_63, %dma_wait3A_64] : memref<4096x2048xf32, #tpu.memory_space<hbm>> -> memref<4096x2048xf32, #tpu.memory_space<hbm>>
    tpu.wait_indirect_dma semaphore(%arg13 : memref<!tpu.dma_semaphore, #tpu.memory_space<semaphore_mem>>) src(%dma_wait3A_65 : memref<4096x2048xf32, #tpu.memory_space<hbm>>) dst(%arg6 : memref<8x2048xf32, #tpu.memory_space<vmem>>)
    %add3A_66 = arith.constant 0 : i32
    %add3A_67 = arith.addi %mul3A_32, %add3A_66 : i32
    %dma_start3A_68 = arith.constant 0 : i32
    %dma_start3A_69 = tpu.memref_slice %arg4[%select_n3A, %add3A_67, %dma_start3A_68] : memref<4x4096x2048xf32, #tpu.memory_space<hbm>> -> memref<1x8x2048xf32, #tpu.memory_space<hbm>>
    %dma_start3A_70 = tpu.memref_squeeze %dma_start3A_69 : memref<1x8x2048xf32, #tpu.memory_space<hbm>> -> memref<8x2048xf32, #tpu.memory_space<hbm>>
    %dma_start3A_71 = arith.constant 0 : i32
    %dma_start3A_72 = tpu.memref_slice %arg4[%select_n3A, %add3A_67, %dma_start3A_71] : memref<4x4096x2048xf32, #tpu.memory_space<hbm>> -> memref<1x8x2048xf32, #tpu.memory_space<hbm>>
    %dma_start3A_73 = tpu.memref_squeeze %dma_start3A_72 : memref<1x8x2048xf32, #tpu.memory_space<hbm>> -> memref<8x2048xf32, #tpu.memory_space<hbm>>
    tpu.enqueue_dma source(%arg6 : memref<8x2048xf32, #tpu.memory_space<vmem>>) target(%dma_start3A_73 : memref<8x2048xf32, #tpu.memory_space<hbm>>) target_semaphore(%arg20 : memref<!tpu.dma_semaphore, #tpu.memory_space<semaphore_mem>>)
    %dma_start3A_74 = arith.constant 48 : i32
    %dma_start3A_75 = tpu.memref_slice %arg5[%dma_start3A_74] : memref<512xi32, #tpu.memory_space<vmem>> -> memref<8xi32, #tpu.memory_space<vmem>>
    %dma_start3A_76 = arith.constant 0 : i32
    %dma_start3A_77 = arith.constant 0 : i32
    %dma_start3A_78 = tpu.memref_slice %arg2[%dma_start3A_76, %dma_start3A_77] : memref<4096x2048xf32, #tpu.memory_space<hbm>> -> memref<4096x2048xf32, #tpu.memory_space<hbm>>
    tpu.enqueue_indirect_dma source(%dma_start3A_78 : memref<4096x2048xf32, #tpu.memory_space<hbm>>) target(%arg12 : memref<8x2048xf32, #tpu.memory_space<vmem>>) offsets(%dma_start3A_75 : memref<8xi32, #tpu.memory_space<vmem>>) semaphore(%arg19 : memref<!tpu.dma_semaphore, #tpu.memory_space<semaphore_mem>>)
    %dma_wait3A_79 = arith.constant 8 : i32
    %dma_wait3A_80 = tpu.memref_slice %arg5[%dma_wait3A_79] : memref<512xi32, #tpu.memory_space<vmem>> -> memref<8xi32, #tpu.memory_space<vmem>>
    %dma_wait3A_81 = arith.constant 0 : i32
    %dma_wait3A_82 = arith.constant 0 : i32
    %dma_wait3A_83 = tpu.memref_slice %arg2[%dma_wait3A_81, %dma_wait3A_82] : memref<4096x2048xf32, #tpu.memory_space<hbm>> -> memref<4096x2048xf32, #tpu.memory_space<hbm>>
    tpu.wait_indirect_dma semaphore(%arg14 : memref<!tpu.dma_semaphore, #tpu.memory_space<semaphore_mem>>) src(%dma_wait3A_83 : memref<4096x2048xf32, #tpu.memory_space<hbm>>) dst(%arg7 : memref<8x2048xf32, #tpu.memory_space<vmem>>)
    %add3A_84 = arith.constant 8 : i32
    %add3A_85 = arith.addi %mul3A_32, %add3A_84 : i32
    %dma_start3A_86 = arith.constant 0 : i32
    %dma_start3A_87 = tpu.memref_slice %arg4[%select_n3A, %add3A_85, %dma_start3A_86] : memref<4x4096x2048xf32, #tpu.memory_space<hbm>> -> memref<1x8x2048xf32, #tpu.memory_space<hbm>>
    %dma_start3A_88 = tpu.memref_squeeze %dma_start3A_87 : memref<1x8x2048xf32, #tpu.memory_space<hbm>> -> memref<8x2048xf32, #tpu.memory_space<hbm>>
    %dma_start3A_89 = arith.constant 0 : i32
    %dma_start3A_90 = tpu.memref_slice %arg4[%select_n3A, %add3A_85, %dma_start3A_89] : memref<4x4096x2048xf32, #tpu.memory_space<hbm>> -> memref<1x8x2048xf32, #tpu.memory_space<hbm>>
    %dma_start3A_91 = tpu.memref_squeeze %dma_start3A_90 : memref<1x8x2048xf32, #tpu.memory_space<hbm>> -> memref<8x2048xf32, #tpu.memory_space<hbm>>
    tpu.enqueue_dma source(%arg7 : memref<8x2048xf32, #tpu.memory_space<vmem>>) target(%dma_start3A_91 : memref<8x2048xf32, #tpu.memory_space<hbm>>) target_semaphore(%arg21 : memref<!tpu.dma_semaphore, #tpu.memory_space<semaphore_mem>>)
    %add3A_92 = arith.constant 0 : i32
    %add3A_93 = arith.addi %mul3A_32, %add3A_92 : i32
    %dma_wait3A_94 = arith.constant 0 : i32
    %dma_wait3A_95 = tpu.memref_slice %arg4[%select_n3A, %add3A_93, %dma_wait3A_94] : memref<4x4096x2048xf32, #tpu.memory_space<hbm>> -> memref<1x8x2048xf32, #tpu.memory_space<hbm>>
    %dma_wait3A_96 = tpu.memref_squeeze %dma_wait3A_95 : memref<1x8x2048xf32, #tpu.memory_space<hbm>> -> memref<8x2048xf32, #tpu.memory_space<hbm>>
    %dma_wait3A_97 = arith.constant 0 : i32
    %dma_wait3A_98 = tpu.memref_slice %arg4[%select_n3A, %add3A_93, %dma_wait3A_97] : memref<4x4096x2048xf32, #tpu.memory_space<hbm>> -> memref<1x8x2048xf32, #tpu.memory_space<hbm>>
    %dma_wait3A_99 = tpu.memref_squeeze %dma_wait3A_98 : memref<1x8x2048xf32, #tpu.memory_space<hbm>> -> memref<8x2048xf32, #tpu.memory_space<hbm>>
    tpu.wait_dma2 semaphore(%arg20 : memref<!tpu.dma_semaphore, #tpu.memory_space<semaphore_mem>>) src(%arg6 : memref<8x2048xf32, #tpu.memory_space<vmem>>) dst(%dma_wait3A_99 : memref<8x2048xf32, #tpu.memory_space<hbm>>)
    %dma_start3A_100 = arith.constant 56 : i32
    %dma_start3A_101 = tpu.memref_slice %arg5[%dma_start3A_100] : memref<512xi32, #tpu.memory_space<vmem>> -> memref<8xi32, #tpu.memory_space<vmem>>
    %dma_start3A_102 = arith.constant 0 : i32
    %dma_start3A_103 = arith.constant 0 : i32
    %dma_start3A_104 = tpu.memref_slice %arg2[%dma_start3A_102, %dma_start3A_103] : memref<4096x2048xf32, #tpu.memory_space<hbm>> -> memref<4096x2048xf32, #tpu.memory_space<hbm>>
    tpu.enqueue_indirect_dma source(%dma_start3A_104 : memref<4096x2048xf32, #tpu.memory_space<hbm>>) target(%arg6 : memref<8x2048xf32, #tpu.memory_space<vmem>>) offsets(%dma_start3A_101 : memref<8xi32, #tpu.memory_space<vmem>>) semaphore(%arg13 : memref<!tpu.dma_semaphore, #tpu.memory_space<semaphore_mem>>)
    %dma_wait3A_105 = arith.constant 16 : i32
    %dma_wait3A_106 = tpu.memref_slice %arg5[%dma_wait3A_105] : memref<512xi32, #tpu.memory_space<vmem>> -> memref<8xi32, #tpu.memory_space<vmem>>
    %dma_wait3A_107 = arith.constant 0 : i32
    %dma_wait3A_108 = arith.constant 0 : i32
    %dma_wait3A_109 = tpu.memref_slice %arg2[%dma_wait3A_107, %dma_wait3A_108] : memref<4096x2048xf32, #tpu.memory_space<hbm>> -> memref<4096x2048xf32, #tpu.memory_space<hbm>>
    tpu.wait_indirect_dma semaphore(%arg15 : memref<!tpu.dma_semaphore, #tpu.memory_space<semaphore_mem>>) src(%dma_wait3A_109 : memref<4096x2048xf32, #tpu.memory_space<hbm>>) dst(%arg8 : memref<8x2048xf32, #tpu.memory_space<vmem>>)
    %add3A_110 = arith.constant 16 : i32
    %add3A_111 = arith.addi %mul3A_32, %add3A_110 : i32
    %dma_start3A_112 = arith.constant 0 : i32
    %dma_start3A_113 = tpu.memref_slice %arg4[%select_n3A, %add3A_111, %dma_start3A_112] : memref<4x4096x2048xf32, #tpu.memory_space<hbm>> -> memref<1x8x2048xf32, #tpu.memory_space<hbm>>
    %dma_start3A_114 = tpu.memref_squeeze %dma_start3A_113 : memref<1x8x2048xf32, #tpu.memory_space<hbm>> -> memref<8x2048xf32, #tpu.memory_space<hbm>>
    %dma_start3A_115 = arith.constant 0 : i32
    %dma_start3A_116 = tpu.memref_slice %arg4[%select_n3A, %add3A_111, %dma_start3A_115] : memref<4x4096x2048xf32, #tpu.memory_space<hbm>> -> memref<1x8x2048xf32, #tpu.memory_space<hbm>>
    %dma_start3A_117 = tpu.memref_squeeze %dma_start3A_116 : memref<1x8x2048xf32, #tpu.memory_space<hbm>> -> memref<8x2048xf32, #tpu.memory_space<hbm>>
    tpu.enqueue_dma source(%arg8 : memref<8x2048xf32, #tpu.memory_space<vmem>>) target(%dma_start3A_117 : memref<8x2048xf32, #tpu.memory_space<hbm>>) target_semaphore(%arg22 : memref<!tpu.dma_semaphore, #tpu.memory_space<semaphore_mem>>)
    %add3A_118 = arith.constant 8 : i32
    %add3A_119 = arith.addi %mul3A_32, %add3A_118 : i32
    %dma_wait3A_120 = arith.constant 0 : i32
    %dma_wait3A_121 = tpu.memref_slice %arg4[%select_n3A, %add3A_119, %dma_wait3A_120] : memref<4x4096x2048xf32, #tpu.memory_space<hbm>> -> memref<1x8x2048xf32, #tpu.memory_space<hbm>>
    %dma_wait3A_122 = tpu.memref_squeeze %dma_wait3A_121 : memref<1x8x2048xf32, #tpu.memory_space<hbm>> -> memref<8x2048xf32, #tpu.memory_space<hbm>>
    %dma_wait3A_123 = arith.constant 0 : i32
    %dma_wait3A_124 = tpu.memref_slice %arg4[%select_n3A, %add3A_119, %dma_wait3A_123] : memref<4x4096x2048xf32, #tpu.memory_space<hbm>> -> memref<1x8x2048xf32, #tpu.memory_space<hbm>>
    %dma_wait3A_125 = tpu.memref_squeeze %dma_wait3A_124 : memref<1x8x2048xf32, #tpu.memory_space<hbm>> -> memref<8x2048xf32, #tpu.memory_space<hbm>>
    tpu.wait_dma2 semaphore(%arg21 : memref<!tpu.dma_semaphore, #tpu.memory_space<semaphore_mem>>) src(%arg7 : memref<8x2048xf32, #tpu.memory_space<vmem>>) dst(%dma_wait3A_125 : memref<8x2048xf32, #tpu.memory_space<hbm>>)
    %dma_start3A_126 = arith.constant 64 : i32
    %dma_start3A_127 = tpu.memref_slice %arg5[%dma_start3A_126] : memref<512xi32, #tpu.memory_space<vmem>> -> memref<8xi32, #tpu.memory_space<vmem>>
    %dma_start3A_128 = arith.constant 0 : i32
    %dma_start3A_129 = arith.constant 0 : i32
    %dma_start3A_130 = tpu.memref_slice %arg2[%dma_start3A_128, %dma_start3A_129] : memref<4096x2048xf32, #tpu.memory_space<hbm>> -> memref<4096x2048xf32, #tpu.memory_space<hbm>>
    tpu.enqueue_indirect_dma source(%dma_start3A_130 : memref<4096x2048xf32, #tpu.memory_space<hbm>>) target(%arg7 : memref<8x2048xf32, #tpu.memory_space<vmem>>) offsets(%dma_start3A_127 : memref<8xi32, #tpu.memory_space<vmem>>) semaphore(%arg14 : memref<!tpu.dma_semaphore, #tpu.memory_space<semaphore_mem>>)
    %dma_wait3A_131 = arith.constant 24 : i32
    %dma_wait3A_132 = tpu.memref_slice %arg5[%dma_wait3A_131] : memref<512xi32, #tpu.memory_space<vmem>> -> memref<8xi32, #tpu.memory_space<vmem>>
    %dma_wait3A_133 = arith.constant 0 : i32
    %dma_wait3A_134 = arith.constant 0 : i32
    %dma_wait3A_135 = tpu.memref_slice %arg2[%dma_wait3A_133, %dma_wait3A_134] : memref<4096x2048xf32, #tpu.memory_space<hbm>> -> memref<4096x2048xf32, #tpu.memory_space<hbm>>
    tpu.wait_indirect_dma semaphore(%arg16 : memref<!tpu.dma_semaphore, #tpu.memory_space<semaphore_mem>>) src(%dma_wait3A_135 : memref<4096x2048xf32, #tpu.memory_space<hbm>>) dst(%arg9 : memref<8x2048xf32, #tpu.memory_space<vmem>>)
    %add3A_136 = arith.constant 24 : i32
    %add3A_137 = arith.addi %mul3A_32, %add3A_136 : i32
    %dma_start3A_138 = arith.constant 0 : i32
    %dma_start3A_139 = tpu.memref_slice %arg4[%select_n3A, %add3A_137, %dma_start3A_138] : memref<4x4096x2048xf32, #tpu.memory_space<hbm>> -> memref<1x8x2048xf32, #tpu.memory_space<hbm>>
    %dma_start3A_140 = tpu.memref_squeeze %dma_start3A_139 : memref<1x8x2048xf32, #tpu.memory_space<hbm>> -> memref<8x2048xf32, #tpu.memory_space<hbm>>
    %dma_start3A_141 = arith.constant 0 : i32
    %dma_start3A_142 = tpu.memref_slice %arg4[%select_n3A, %add3A_137, %dma_start3A_141] : memref<4x4096x2048xf32, #tpu.memory_space<hbm>> -> memref<1x8x2048xf32, #tpu.memory_space<hbm>>
    %dma_start3A_143 = tpu.memref_squeeze %dma_start3A_142 : memref<1x8x2048xf32, #tpu.memory_space<hbm>> -> memref<8x2048xf32, #tpu.memory_space<hbm>>
    tpu.enqueue_dma source(%arg9 : memref<8x2048xf32, #tpu.memory_space<vmem>>) target(%dma_start3A_143 : memref<8x2048xf32, #tpu.memory_space<hbm>>) target_semaphore(%arg23 : memref<!tpu.dma_semaphore, #tpu.memory_space<semaphore_mem>>)
    %add3A_144 = arith.constant 16 : i32
    %add3A_145 = arith.addi %mul3A_32, %add3A_144 : i32
    %dma_wait3A_146 = arith.constant 0 : i32
    %dma_wait3A_147 = tpu.memref_slice %arg4[%select_n3A, %add3A_145, %dma_wait3A_146] : memref<4x4096x2048xf32, #tpu.memory_space<hbm>> -> memref<1x8x2048xf32, #tpu.memory_space<hbm>>
    %dma_wait3A_148 = tpu.memref_squeeze %dma_wait3A_147 : memref<1x8x2048xf32, #tpu.memory_space<hbm>> -> memref<8x2048xf32, #tpu.memory_space<hbm>>
    %dma_wait3A_149 = arith.constant 0 : i32
    %dma_wait3A_150 = tpu.memref_slice %arg4[%select_n3A, %add3A_145, %dma_wait3A_149] : memref<4x4096x2048xf32, #tpu.memory_space<hbm>> -> memref<1x8x2048xf32, #tpu.memory_space<hbm>>
    %dma_wait3A_151 = tpu.memref_squeeze %dma_wait3A_150 : memref<1x8x2048xf32, #tpu.memory_space<hbm>> -> memref<8x2048xf32, #tpu.memory_space<hbm>>
    tpu.wait_dma2 semaphore(%arg22 : memref<!tpu.dma_semaphore, #tpu.memory_space<semaphore_mem>>) src(%arg8 : memref<8x2048xf32, #tpu.memory_space<vmem>>) dst(%dma_wait3A_151 : memref<8x2048xf32, #tpu.memory_space<hbm>>)
    %dma_start3A_152 = arith.constant 72 : i32
    %dma_start3A_153 = tpu.memref_slice %arg5[%dma_start3A_152] : memref<512xi32, #tpu.memory_space<vmem>> -> memref<8xi32, #tpu.memory_space<vmem>>
    %dma_start3A_154 = arith.constant 0 : i32
    %dma_start3A_155 = arith.constant 0 : i32
    %dma_start3A_156 = tpu.memref_slice %arg2[%dma_start3A_154, %dma_start3A_155] : memref<4096x2048xf32, #tpu.memory_space<hbm>> -> memref<4096x2048xf32, #tpu.memory_space<hbm>>
    tpu.enqueue_indirect_dma source(%dma_start3A_156 : memref<4096x2048xf32, #tpu.memory_space<hbm>>) target(%arg8 : memref<8x2048xf32, #tpu.memory_space<vmem>>) offsets(%dma_start3A_153 : memref<8xi32, #tpu.memory_space<vmem>>) semaphore(%arg15 : memref<!tpu.dma_semaphore, #tpu.memory_space<semaphore_mem>>)
    %dma_wait3A_157 = arith.constant 32 : i32
    %dma_wait3A_158 = tpu.memref_slice %arg5[%dma_wait3A_157] : memref<512xi32, #tpu.memory_space<vmem>> -> memref<8xi32, #tpu.memory_space<vmem>>
    %dma_wait3A_159 = arith.constant 0 : i32
    %dma_wait3A_160 = arith.constant 0 : i32
    %dma_wait3A_161 = tpu.memref_slice %arg2[%dma_wait3A_159, %dma_wait3A_160] : memref<4096x2048xf32, #tpu.memory_space<hbm>> -> memref<4096x2048xf32, #tpu.memory_space<hbm>>
    tpu.wait_indirect_dma semaphore(%arg17 : memref<!tpu.dma_semaphore, #tpu.memory_space<semaphore_mem>>) src(%dma_wait3A_161 : memref<4096x2048xf32, #tpu.memory_space<hbm>>) dst(%arg10 : memref<8x2048xf32, #tpu.memory_space<vmem>>)
    %add3A_162 = arith.constant 32 : i32
    %add3A_163 = arith.addi %mul3A_32, %add3A_162 : i32
    %dma_start3A_164 = arith.constant 0 : i32
    %dma_start3A_165 = tpu.memref_slice %arg4[%select_n3A, %add3A_163, %dma_start3A_164] : memref<4x4096x2048xf32, #tpu.memory_space<hbm>> -> memref<1x8x2048xf32, #tpu.memory_space<hbm>>
    %dma_start3A_166 = tpu.memref_squeeze %dma_start3A_165 : memref<1x8x2048xf32, #tpu.memory_space<hbm>> -> memref<8x2048xf32, #tpu.memory_space<hbm>>
    %dma_start3A_167 = arith.constant 0 : i32
    %dma_start3A_168 = tpu.memref_slice %arg4[%select_n3A, %add3A_163, %dma_start3A_167] : memref<4x4096x2048xf32, #tpu.memory_space<hbm>> -> memref<1x8x2048xf32, #tpu.memory_space<hbm>>
    %dma_start3A_169 = tpu.memref_squeeze %dma_start3A_168 : memref<1x8x2048xf32, #tpu.memory_space<hbm>> -> memref<8x2048xf32, #tpu.memory_space<hbm>>
    tpu.enqueue_dma source(%arg10 : memref<8x2048xf32, #tpu.memory_space<vmem>>) target(%dma_start3A_169 : memref<8x2048xf32, #tpu.memory_space<hbm>>) target_semaphore(%arg24 : memref<!tpu.dma_semaphore, #tpu.memory_space<semaphore_mem>>)
    %add3A_170 = arith.constant 24 : i32
    %add3A_171 = arith.addi %mul3A_32, %add3A_170 : i32
    %dma_wait3A_172 = arith.constant 0 : i32
    %dma_wait3A_173 = tpu.memref_slice %arg4[%select_n3A, %add3A_171, %dma_wait3A_172] : memref<4x4096x2048xf32, #tpu.memory_space<hbm>> -> memref<1x8x2048xf32, #tpu.memory_space<hbm>>
    %dma_wait3A_174 = tpu.memref_squeeze %dma_wait3A_173 : memref<1x8x2048xf32, #tpu.memory_space<hbm>> -> memref<8x2048xf32, #tpu.memory_space<hbm>>
    %dma_wait3A_175 = arith.constant 0 : i32
    %dma_wait3A_176 = tpu.memref_slice %arg4[%select_n3A, %add3A_171, %dma_wait3A_175] : memref<4x4096x2048xf32, #tpu.memory_space<hbm>> -> memref<1x8x2048xf32, #tpu.memory_space<hbm>>
    %dma_wait3A_177 = tpu.memref_squeeze %dma_wait3A_176 : memref<1x8x2048xf32, #tpu.memory_space<hbm>> -> memref<8x2048xf32, #tpu.memory_space<hbm>>
    tpu.wait_dma2 semaphore(%arg23 : memref<!tpu.dma_semaphore, #tpu.memory_space<semaphore_mem>>) src(%arg9 : memref<8x2048xf32, #tpu.memory_space<vmem>>) dst(%dma_wait3A_177 : memref<8x2048xf32, #tpu.memory_space<hbm>>)
    %dma_start3A_178 = arith.constant 80 : i32
    %dma_start3A_179 = tpu.memref_slice %arg5[%dma_start3A_178] : memref<512xi32, #tpu.memory_space<vmem>> -> memref<8xi32, #tpu.memory_space<vmem>>
    %dma_start3A_180 = arith.constant 0 : i32
    %dma_start3A_181 = arith.constant 0 : i32
    %dma_start3A_182 = tpu.memref_slice %arg2[%dma_start3A_180, %dma_start3A_181] : memref<4096x2048xf32, #tpu.memory_space<hbm>> -> memref<4096x2048xf32, #tpu.memory_space<hbm>>
    tpu.enqueue_indirect_dma source(%dma_start3A_182 : memref<4096x2048xf32, #tpu.memory_space<hbm>>) target(%arg9 : memref<8x2048xf32, #tpu.memory_space<vmem>>) offsets(%dma_start3A_179 : memref<8xi32, #tpu.memory_space<vmem>>) semaphore(%arg16 : memref<!tpu.dma_semaphore, #tpu.memory_space<semaphore_mem>>)
    %dma_wait3A_183 = arith.constant 40 : i32
    %dma_wait3A_184 = tpu.memref_slice %arg5[%dma_wait3A_183] : memref<512xi32, #tpu.memory_space<vmem>> -> memref<8xi32, #tpu.memory_space<vmem>>
    %dma_wait3A_185 = arith.constant 0 : i32
    %dma_wait3A_186 = arith.constant 0 : i32
    %dma_wait3A_187 = tpu.memref_slice %arg2[%dma_wait3A_185, %dma_wait3A_186] : memref<4096x2048xf32, #tpu.memory_space<hbm>> -> memref<4096x2048xf32, #tpu.memory_space<hbm>>
    tpu.wait_indirect_dma semaphore(%arg18 : memref<!tpu.dma_semaphore, #tpu.memory_space<semaphore_mem>>) src(%dma_wait3A_187 : memref<4096x2048xf32, #tpu.memory_space<hbm>>) dst(%arg11 : memref<8x2048xf32, #tpu.memory_space<vmem>>)
    %add3A_188 = arith.constant 40 : i32
    %add3A_189 = arith.addi %mul3A_32, %add3A_188 : i32
    %dma_start3A_190 = arith.constant 0 : i32
    %dma_start3A_191 = tpu.memref_slice %arg4[%select_n3A, %add3A_189, %dma_start3A_190] : memref<4x4096x2048xf32, #tpu.memory_space<hbm>> -> memref<1x8x2048xf32, #tpu.memory_space<hbm>>
    %dma_start3A_192 = tpu.memref_squeeze %dma_start3A_191 : memref<1x8x2048xf32, #tpu.memory_space<hbm>> -> memref<8x2048xf32, #tpu.memory_space<hbm>>
    %dma_start3A_193 = arith.constant 0 : i32
    %dma_start3A_194 = tpu.memref_slice %arg4[%select_n3A, %add3A_189, %dma_start3A_193] : memref<4x4096x2048xf32, #tpu.memory_space<hbm>> -> memref<1x8x2048xf32, #tpu.memory_space<hbm>>
    %dma_start3A_195 = tpu.memref_squeeze %dma_start3A_194 : memref<1x8x2048xf32, #tpu.memory_space<hbm>> -> memref<8x2048xf32, #tpu.memory_space<hbm>>
    tpu.enqueue_dma source(%arg11 : memref<8x2048xf32, #tpu.memory_space<vmem>>) target(%dma_start3A_195 : memref<8x2048xf32, #tpu.memory_space<hbm>>) target_semaphore(%arg25 : memref<!tpu.dma_semaphore, #tpu.memory_space<semaphore_mem>>)
    %add3A_196 = arith.constant 32 : i32
    %add3A_197 = arith.addi %mul3A_32, %add3A_196 : i32
    %dma_wait3A_198 = arith.constant 0 : i32
    %dma_wait3A_199 = tpu.memref_slice %arg4[%select_n3A, %add3A_197, %dma_wait3A_198] : memref<4x4096x2048xf32, #tpu.memory_space<hbm>> -> memref<1x8x2048xf32, #tpu.memory_space<hbm>>
    %dma_wait3A_200 = tpu.memref_squeeze %dma_wait3A_199 : memref<1x8x2048xf32, #tpu.memory_space<hbm>> -> memref<8x2048xf32, #tpu.memory_space<hbm>>
    %dma_wait3A_201 = arith.constant 0 : i32
    %dma_wait3A_202 = tpu.memref_slice %arg4[%select_n3A, %add3A_197, %dma_wait3A_201] : memref<4x4096x2048xf32, #tpu.memory_space<hbm>> -> memref<1x8x2048xf32, #tpu.memory_space<hbm>>
    %dma_wait3A_203 = tpu.memref_squeeze %dma_wait3A_202 : memref<1x8x2048xf32, #tpu.memory_space<hbm>> -> memref<8x2048xf32, #tpu.memory_space<hbm>>
    tpu.wait_dma2 semaphore(%arg24 : memref<!tpu.dma_semaphore, #tpu.memory_space<semaphore_mem>>) src(%arg10 : memref<8x2048xf32, #tpu.memory_space<vmem>>) dst(%dma_wait3A_203 : memref<8x2048xf32, #tpu.memory_space<hbm>>)
    %dma_start3A_204 = arith.constant 88 : i32
    %dma_start3A_205 = tpu.memref_slice %arg5[%dma_start3A_204] : memref<512xi32, #tpu.memory_space<vmem>> -> memref<8xi32, #tpu.memory_space<vmem>>
    %dma_start3A_206 = arith.constant 0 : i32
    %dma_start3A_207 = arith.constant 0 : i32
    %dma_start3A_208 = tpu.memref_slice %arg2[%dma_start3A_206, %dma_start3A_207] : memref<4096x2048xf32, #tpu.memory_space<hbm>> -> memref<4096x2048xf32, #tpu.memory_space<hbm>>
    tpu.enqueue_indirect_dma source(%dma_start3A_208 : memref<4096x2048xf32, #tpu.memory_space<hbm>>) target(%arg10 : memref<8x2048xf32, #tpu.memory_space<vmem>>) offsets(%dma_start3A_205 : memref<8xi32, #tpu.memory_space<vmem>>) semaphore(%arg17 : memref<!tpu.dma_semaphore, #tpu.memory_space<semaphore_mem>>)
    %dma_wait3A_209 = arith.constant 48 : i32
    %dma_wait3A_210 = tpu.memref_slice %arg5[%dma_wait3A_209] : memref<512xi32, #tpu.memory_space<vmem>> -> memref<8xi32, #tpu.memory_space<vmem>>
    %dma_wait3A_211 = arith.constant 0 : i32
    %dma_wait3A_212 = arith.constant 0 : i32
    %dma_wait3A_213 = tpu.memref_slice %arg2[%dma_wait3A_211, %dma_wait3A_212] : memref<4096x2048xf32, #tpu.memory_space<hbm>> -> memref<4096x2048xf32, #tpu.memory_space<hbm>>
    tpu.wait_indirect_dma semaphore(%arg19 : memref<!tpu.dma_semaphore, #tpu.memory_space<semaphore_mem>>) src(%dma_wait3A_213 : memref<4096x2048xf32, #tpu.memory_space<hbm>>) dst(%arg12 : memref<8x2048xf32, #tpu.memory_space<vmem>>)
    %add3A_214 = arith.constant 48 : i32
    %add3A_215 = arith.addi %mul3A_32, %add3A_214 : i32
    %dma_start3A_216 = arith.constant 0 : i32
    %dma_start3A_217 = tpu.memref_slice %arg4[%select_n3A, %add3A_215, %dma_start3A_216] : memref<4x4096x2048xf32, #tpu.memory_space<hbm>> -> memref<1x8x2048xf32, #tpu.memory_space<hbm>>
    %dma_start3A_218 = tpu.memref_squeeze %dma_start3A_217 : memref<1x8x2048xf32, #tpu.memory_space<hbm>> -> memref<8x2048xf32, #tpu.memory_space<hbm>>
    %dma_start3A_219 = arith.constant 0 : i32
    %dma_start3A_220 = tpu.memref_slice %arg4[%select_n3A, %add3A_215, %dma_start3A_219] : memref<4x4096x2048xf32, #tpu.memory_space<hbm>> -> memref<1x8x2048xf32, #tpu.memory_space<hbm>>
    %dma_start3A_221 = tpu.memref_squeeze %dma_start3A_220 : memref<1x8x2048xf32, #tpu.memory_space<hbm>> -> memref<8x2048xf32, #tpu.memory_space<hbm>>
    tpu.enqueue_dma source(%arg12 : memref<8x2048xf32, #tpu.memory_space<vmem>>) target(%dma_start3A_221 : memref<8x2048xf32, #tpu.memory_space<hbm>>) target_semaphore(%arg26 : memref<!tpu.dma_semaphore, #tpu.memory_space<semaphore_mem>>)
    %scan3A = arith.constant 0 : i32
    %scan3A_222 = arith.constant 1 : i32
    %scan3A_223 = arith.constant 7 : i32
    %scan3A_224 = arith.addi %scan3A_222, %scan3A_223 : i32
    %scan3A_225 = arith.constant 1 : i32
    scf.for %scan3A_426 = %scan3A_222 to %scan3A_224 step %scan3A_225  : i32 {
      %mul3A_427 = arith.constant 7 : i32
      %mul3A_428 = arith.muli %scan3A_426, %mul3A_427 : i32
      %add3A_429 = arith.constant 0 : i32
      %add3A_430 = arith.addi %mul3A_428, %add3A_429 : i32
      %sub3A_431 = arith.constant 2 : i32
      %sub3A_432 = arith.subi %add3A_430, %sub3A_431 : i32
      %mul3A_433 = arith.constant 8 : i32
      %mul3A_434 = arith.muli %sub3A_432, %mul3A_433 : i32
      %add3A_435 = arith.addi %mul3A_32, %mul3A_434 : i32
      %dma_wait3A_436 = arith.constant 0 : i32
      %dma_wait3A_437 = tpu.memref_slice %arg4[%select_n3A, %add3A_435, %dma_wait3A_436] : memref<4x4096x2048xf32, #tpu.memory_space<hbm>> -> memref<1x8x2048xf32, #tpu.memory_space<hbm>>
      %dma_wait3A_438 = tpu.memref_squeeze %dma_wait3A_437 : memref<1x8x2048xf32, #tpu.memory_space<hbm>> -> memref<8x2048xf32, #tpu.memory_space<hbm>>
      %dma_wait3A_439 = arith.constant 0 : i32
      %dma_wait3A_440 = tpu.memref_slice %arg4[%select_n3A, %add3A_435, %dma_wait3A_439] : memref<4x4096x2048xf32, #tpu.memory_space<hbm>> -> memref<1x8x2048xf32, #tpu.memory_space<hbm>>
      %dma_wait3A_441 = tpu.memref_squeeze %dma_wait3A_440 : memref<1x8x2048xf32, #tpu.memory_space<hbm>> -> memref<8x2048xf32, #tpu.memory_space<hbm>>
      tpu.wait_dma2 semaphore(%arg25 : memref<!tpu.dma_semaphore, #tpu.memory_space<semaphore_mem>>) src(%arg11 : memref<8x2048xf32, #tpu.memory_space<vmem>>) dst(%dma_wait3A_441 : memref<8x2048xf32, #tpu.memory_space<hbm>>)
      %add3A_442 = arith.constant 5 : i32
      %add3A_443 = arith.addi %add3A_430, %add3A_442 : i32
      %mul3A_444 = arith.constant 8 : i32
      %mul3A_445 = arith.muli %add3A_443, %mul3A_444 : i32
      %dma_start3A_446 = tpu.memref_slice %arg5[%mul3A_445] : memref<512xi32, #tpu.memory_space<vmem>> -> memref<8xi32, #tpu.memory_space<vmem>>
      %dma_start3A_447 = arith.constant 0 : i32
      %dma_start3A_448 = arith.constant 0 : i32
      %dma_start3A_449 = tpu.memref_slice %arg2[%dma_start3A_447, %dma_start3A_448] : memref<4096x2048xf32, #tpu.memory_space<hbm>> -> memref<4096x2048xf32, #tpu.memory_space<hbm>>
      tpu.enqueue_indirect_dma source(%dma_start3A_449 : memref<4096x2048xf32, #tpu.memory_space<hbm>>) target(%arg11 : memref<8x2048xf32, #tpu.memory_space<vmem>>) offsets(%dma_start3A_446 : memref<8xi32, #tpu.memory_space<vmem>>) semaphore(%arg18 : memref<!tpu.dma_semaphore, #tpu.memory_space<semaphore_mem>>)
      %mul3A_450 = arith.constant 8 : i32
      %mul3A_451 = arith.muli %add3A_430, %mul3A_450 : i32
      %dma_wait3A_452 = tpu.memref_slice %arg5[%mul3A_451] : memref<512xi32, #tpu.memory_space<vmem>> -> memref<8xi32, #tpu.memory_space<vmem>>
      %dma_wait3A_453 = arith.constant 0 : i32
      %dma_wait3A_454 = arith.constant 0 : i32
      %dma_wait3A_455 = tpu.memref_slice %arg2[%dma_wait3A_453, %dma_wait3A_454] : memref<4096x2048xf32, #tpu.memory_space<hbm>> -> memref<4096x2048xf32, #tpu.memory_space<hbm>>
      tpu.wait_indirect_dma semaphore(%arg13 : memref<!tpu.dma_semaphore, #tpu.memory_space<semaphore_mem>>) src(%dma_wait3A_455 : memref<4096x2048xf32, #tpu.memory_space<hbm>>) dst(%arg6 : memref<8x2048xf32, #tpu.memory_space<vmem>>)
      %mul3A_456 = arith.constant 8 : i32
      %mul3A_457 = arith.muli %add3A_430, %mul3A_456 : i32
      %add3A_458 = arith.addi %mul3A_32, %mul3A_457 : i32
      %dma_start3A_459 = arith.constant 0 : i32
      %dma_start3A_460 = tpu.memref_slice %arg4[%select_n3A, %add3A_458, %dma_start3A_459] : memref<4x4096x2048xf32, #tpu.memory_space<hbm>> -> memref<1x8x2048xf32, #tpu.memory_space<hbm>>
      %dma_start3A_461 = tpu.memref_squeeze %dma_start3A_460 : memref<1x8x2048xf32, #tpu.memory_space<hbm>> -> memref<8x2048xf32, #tpu.memory_space<hbm>>
      %dma_start3A_462 = arith.constant 0 : i32
      %dma_start3A_463 = tpu.memref_slice %arg4[%select_n3A, %add3A_458, %dma_start3A_462] : memref<4x4096x2048xf32, #tpu.memory_space<hbm>> -> memref<1x8x2048xf32, #tpu.memory_space<hbm>>
      %dma_start3A_464 = tpu.memref_squeeze %dma_start3A_463 : memref<1x8x2048xf32, #tpu.memory_space<hbm>> -> memref<8x2048xf32, #tpu.memory_space<hbm>>
      tpu.enqueue_dma source(%arg6 : memref<8x2048xf32, #tpu.memory_space<vmem>>) target(%dma_start3A_464 : memref<8x2048xf32, #tpu.memory_space<hbm>>) target_semaphore(%arg20 : memref<!tpu.dma_semaphore, #tpu.memory_space<semaphore_mem>>)
      %add3A_465 = arith.constant 1 : i32
      %add3A_466 = arith.addi %mul3A_428, %add3A_465 : i32
      %sub3A_467 = arith.constant 2 : i32
      %sub3A_468 = arith.subi %add3A_466, %sub3A_467 : i32
      %mul3A_469 = arith.constant 8 : i32
      %mul3A_470 = arith.muli %sub3A_468, %mul3A_469 : i32
      %add3A_471 = arith.addi %mul3A_32, %mul3A_470 : i32
      %dma_wait3A_472 = arith.constant 0 : i32
      %dma_wait3A_473 = tpu.memref_slice %arg4[%select_n3A, %add3A_471, %dma_wait3A_472] : memref<4x4096x2048xf32, #tpu.memory_space<hbm>> -> memref<1x8x2048xf32, #tpu.memory_space<hbm>>
      %dma_wait3A_474 = tpu.memref_squeeze %dma_wait3A_473 : memref<1x8x2048xf32, #tpu.memory_space<hbm>> -> memref<8x2048xf32, #tpu.memory_space<hbm>>
      %dma_wait3A_475 = arith.constant 0 : i32
      %dma_wait3A_476 = tpu.memref_slice %arg4[%select_n3A, %add3A_471, %dma_wait3A_475] : memref<4x4096x2048xf32, #tpu.memory_space<hbm>> -> memref<1x8x2048xf32, #tpu.memory_space<hbm>>
      %dma_wait3A_477 = tpu.memref_squeeze %dma_wait3A_476 : memref<1x8x2048xf32, #tpu.memory_space<hbm>> -> memref<8x2048xf32, #tpu.memory_space<hbm>>
      tpu.wait_dma2 semaphore(%arg26 : memref<!tpu.dma_semaphore, #tpu.memory_space<semaphore_mem>>) src(%arg12 : memref<8x2048xf32, #tpu.memory_space<vmem>>) dst(%dma_wait3A_477 : memref<8x2048xf32, #tpu.memory_space<hbm>>)
      %add3A_478 = arith.constant 5 : i32
      %add3A_479 = arith.addi %add3A_466, %add3A_478 : i32
      %mul3A_480 = arith.constant 8 : i32
      %mul3A_481 = arith.muli %add3A_479, %mul3A_480 : i32
      %dma_start3A_482 = tpu.memref_slice %arg5[%mul3A_481] : memref<512xi32, #tpu.memory_space<vmem>> -> memref<8xi32, #tpu.memory_space<vmem>>
      %dma_start3A_483 = arith.constant 0 : i32
      %dma_start3A_484 = arith.constant 0 : i32
      %dma_start3A_485 = tpu.memref_slice %arg2[%dma_start3A_483, %dma_start3A_484] : memref<4096x2048xf32, #tpu.memory_space<hbm>> -> memref<4096x2048xf32, #tpu.memory_space<hbm>>
      tpu.enqueue_indirect_dma source(%dma_start3A_485 : memref<4096x2048xf32, #tpu.memory_space<hbm>>) target(%arg12 : memref<8x2048xf32, #tpu.memory_space<vmem>>) offsets(%dma_start3A_482 : memref<8xi32, #tpu.memory_space<vmem>>) semaphore(%arg19 : memref<!tpu.dma_semaphore, #tpu.memory_space<semaphore_mem>>)
      %mul3A_486 = arith.constant 8 : i32
      %mul3A_487 = arith.muli %add3A_466, %mul3A_486 : i32
      %dma_wait3A_488 = tpu.memref_slice %arg5[%mul3A_487] : memref<512xi32, #tpu.memory_space<vmem>> -> memref<8xi32, #tpu.memory_space<vmem>>
      %dma_wait3A_489 = arith.constant 0 : i32
      %dma_wait3A_490 = arith.constant 0 : i32
      %dma_wait3A_491 = tpu.memref_slice %arg2[%dma_wait3A_489, %dma_wait3A_490] : memref<4096x2048xf32, #tpu.memory_space<hbm>> -> memref<4096x2048xf32, #tpu.memory_space<hbm>>
      tpu.wait_indirect_dma semaphore(%arg14 : memref<!tpu.dma_semaphore, #tpu.memory_space<semaphore_mem>>) src(%dma_wait3A_491 : memref<4096x2048xf32, #tpu.memory_space<hbm>>) dst(%arg7 : memref<8x2048xf32, #tpu.memory_space<vmem>>)
      %mul3A_492 = arith.constant 8 : i32
      %mul3A_493 = arith.muli %add3A_466, %mul3A_492 : i32
      %add3A_494 = arith.addi %mul3A_32, %mul3A_493 : i32
      %dma_start3A_495 = arith.constant 0 : i32
      %dma_start3A_496 = tpu.memref_slice %arg4[%select_n3A, %add3A_494, %dma_start3A_495] : memref<4x4096x2048xf32, #tpu.memory_space<hbm>> -> memref<1x8x2048xf32, #tpu.memory_space<hbm>>
      %dma_start3A_497 = tpu.memref_squeeze %dma_start3A_496 : memref<1x8x2048xf32, #tpu.memory_space<hbm>> -> memref<8x2048xf32, #tpu.memory_space<hbm>>
      %dma_start3A_498 = arith.constant 0 : i32
      %dma_start3A_499 = tpu.memref_slice %arg4[%select_n3A, %add3A_494, %dma_start3A_498] : memref<4x4096x2048xf32, #tpu.memory_space<hbm>> -> memref<1x8x2048xf32, #tpu.memory_space<hbm>>
      %dma_start3A_500 = tpu.memref_squeeze %dma_start3A_499 : memref<1x8x2048xf32, #tpu.memory_space<hbm>> -> memref<8x2048xf32, #tpu.memory_space<hbm>>
      tpu.enqueue_dma source(%arg7 : memref<8x2048xf32, #tpu.memory_space<vmem>>) target(%dma_start3A_500 : memref<8x2048xf32, #tpu.memory_space<hbm>>) target_semaphore(%arg21 : memref<!tpu.dma_semaphore, #tpu.memory_space<semaphore_mem>>)
      %add3A_501 = arith.constant 2 : i32
      %add3A_502 = arith.addi %mul3A_428, %add3A_501 : i32
      %sub3A_503 = arith.constant 2 : i32
      %sub3A_504 = arith.subi %add3A_502, %sub3A_503 : i32
      %mul3A_505 = arith.constant 8 : i32
      %mul3A_506 = arith.muli %sub3A_504, %mul3A_505 : i32
      %add3A_507 = arith.addi %mul3A_32, %mul3A_506 : i32
      %dma_wait3A_508 = arith.constant 0 : i32
      %dma_wait3A_509 = tpu.memref_slice %arg4[%select_n3A, %add3A_507, %dma_wait3A_508] : memref<4x4096x2048xf32, #tpu.memory_space<hbm>> -> memref<1x8x2048xf32, #tpu.memory_space<hbm>>
      %dma_wait3A_510 = tpu.memref_squeeze %dma_wait3A_509 : memref<1x8x2048xf32, #tpu.memory_space<hbm>> -> memref<8x2048xf32, #tpu.memory_space<hbm>>
      %dma_wait3A_511 = arith.constant 0 : i32
      %dma_wait3A_512 = tpu.memref_slice %arg4[%select_n3A, %add3A_507, %dma_wait3A_511] : memref<4x4096x2048xf32, #tpu.memory_space<hbm>> -> memref<1x8x2048xf32, #tpu.memory_space<hbm>>
      %dma_wait3A_513 = tpu.memref_squeeze %dma_wait3A_512 : memref<1x8x2048xf32, #tpu.memory_space<hbm>> -> memref<8x2048xf32, #tpu.memory_space<hbm>>
      tpu.wait_dma2 semaphore(%arg20 : memref<!tpu.dma_semaphore, #tpu.memory_space<semaphore_mem>>) src(%arg6 : memref<8x2048xf32, #tpu.memory_space<vmem>>) dst(%dma_wait3A_513 : memref<8x2048xf32, #tpu.memory_space<hbm>>)
      %add3A_514 = arith.constant 5 : i32
      %add3A_515 = arith.addi %add3A_502, %add3A_514 : i32
      %mul3A_516 = arith.constant 8 : i32
      %mul3A_517 = arith.muli %add3A_515, %mul3A_516 : i32
      %dma_start3A_518 = tpu.memref_slice %arg5[%mul3A_517] : memref<512xi32, #tpu.memory_space<vmem>> -> memref<8xi32, #tpu.memory_space<vmem>>
      %dma_start3A_519 = arith.constant 0 : i32
      %dma_start3A_520 = arith.constant 0 : i32
      %dma_start3A_521 = tpu.memref_slice %arg2[%dma_start3A_519, %dma_start3A_520] : memref<4096x2048xf32, #tpu.memory_space<hbm>> -> memref<4096x2048xf32, #tpu.memory_space<hbm>>
      tpu.enqueue_indirect_dma source(%dma_start3A_521 : memref<4096x2048xf32, #tpu.memory_space<hbm>>) target(%arg6 : memref<8x2048xf32, #tpu.memory_space<vmem>>) offsets(%dma_start3A_518 : memref<8xi32, #tpu.memory_space<vmem>>) semaphore(%arg13 : memref<!tpu.dma_semaphore, #tpu.memory_space<semaphore_mem>>)
      %mul3A_522 = arith.constant 8 : i32
      %mul3A_523 = arith.muli %add3A_502, %mul3A_522 : i32
      %dma_wait3A_524 = tpu.memref_slice %arg5[%mul3A_523] : memref<512xi32, #tpu.memory_space<vmem>> -> memref<8xi32, #tpu.memory_space<vmem>>
      %dma_wait3A_525 = arith.constant 0 : i32
      %dma_wait3A_526 = arith.constant 0 : i32
      %dma_wait3A_527 = tpu.memref_slice %arg2[%dma_wait3A_525, %dma_wait3A_526] : memref<4096x2048xf32, #tpu.memory_space<hbm>> -> memref<4096x2048xf32, #tpu.memory_space<hbm>>
      tpu.wait_indirect_dma semaphore(%arg15 : memref<!tpu.dma_semaphore, #tpu.memory_space<semaphore_mem>>) src(%dma_wait3A_527 : memref<4096x2048xf32, #tpu.memory_space<hbm>>) dst(%arg8 : memref<8x2048xf32, #tpu.memory_space<vmem>>)
      %mul3A_528 = arith.constant 8 : i32
      %mul3A_529 = arith.muli %add3A_502, %mul3A_528 : i32
      %add3A_530 = arith.addi %mul3A_32, %mul3A_529 : i32
      %dma_start3A_531 = arith.constant 0 : i32
      %dma_start3A_532 = tpu.memref_slice %arg4[%select_n3A, %add3A_530, %dma_start3A_531] : memref<4x4096x2048xf32, #tpu.memory_space<hbm>> -> memref<1x8x2048xf32, #tpu.memory_space<hbm>>
      %dma_start3A_533 = tpu.memref_squeeze %dma_start3A_532 : memref<1x8x2048xf32, #tpu.memory_space<hbm>> -> memref<8x2048xf32, #tpu.memory_space<hbm>>
      %dma_start3A_534 = arith.constant 0 : i32
      %dma_start3A_535 = tpu.memref_slice %arg4[%select_n3A, %add3A_530, %dma_start3A_534] : memref<4x4096x2048xf32, #tpu.memory_space<hbm>> -> memref<1x8x2048xf32, #tpu.memory_space<hbm>>
      %dma_start3A_536 = tpu.memref_squeeze %dma_start3A_535 : memref<1x8x2048xf32, #tpu.memory_space<hbm>> -> memref<8x2048xf32, #tpu.memory_space<hbm>>
      tpu.enqueue_dma source(%arg8 : memref<8x2048xf32, #tpu.memory_space<vmem>>) target(%dma_start3A_536 : memref<8x2048xf32, #tpu.memory_space<hbm>>) target_semaphore(%arg22 : memref<!tpu.dma_semaphore, #tpu.memory_space<semaphore_mem>>)
      %add3A_537 = arith.constant 3 : i32
      %add3A_538 = arith.addi %mul3A_428, %add3A_537 : i32
      %sub3A_539 = arith.constant 2 : i32
      %sub3A_540 = arith.subi %add3A_538, %sub3A_539 : i32
      %mul3A_541 = arith.constant 8 : i32
      %mul3A_542 = arith.muli %sub3A_540, %mul3A_541 : i32
      %add3A_543 = arith.addi %mul3A_32, %mul3A_542 : i32
      %dma_wait3A_544 = arith.constant 0 : i32
      %dma_wait3A_545 = tpu.memref_slice %arg4[%select_n3A, %add3A_543, %dma_wait3A_544] : memref<4x4096x2048xf32, #tpu.memory_space<hbm>> -> memref<1x8x2048xf32, #tpu.memory_space<hbm>>
      %dma_wait3A_546 = tpu.memref_squeeze %dma_wait3A_545 : memref<1x8x2048xf32, #tpu.memory_space<hbm>> -> memref<8x2048xf32, #tpu.memory_space<hbm>>
      %dma_wait3A_547 = arith.constant 0 : i32
      %dma_wait3A_548 = tpu.memref_slice %arg4[%select_n3A, %add3A_543, %dma_wait3A_547] : memref<4x4096x2048xf32, #tpu.memory_space<hbm>> -> memref<1x8x2048xf32, #tpu.memory_space<hbm>>
      %dma_wait3A_549 = tpu.memref_squeeze %dma_wait3A_548 : memref<1x8x2048xf32, #tpu.memory_space<hbm>> -> memref<8x2048xf32, #tpu.memory_space<hbm>>
      tpu.wait_dma2 semaphore(%arg21 : memref<!tpu.dma_semaphore, #tpu.memory_space<semaphore_mem>>) src(%arg7 : memref<8x2048xf32, #tpu.memory_space<vmem>>) dst(%dma_wait3A_549 : memref<8x2048xf32, #tpu.memory_space<hbm>>)
      %add3A_550 = arith.constant 5 : i32
      %add3A_551 = arith.addi %add3A_538, %add3A_550 : i32
      %mul3A_552 = arith.constant 8 : i32
      %mul3A_553 = arith.muli %add3A_551, %mul3A_552 : i32
      %dma_start3A_554 = tpu.memref_slice %arg5[%mul3A_553] : memref<512xi32, #tpu.memory_space<vmem>> -> memref<8xi32, #tpu.memory_space<vmem>>
      %dma_start3A_555 = arith.constant 0 : i32
      %dma_start3A_556 = arith.constant 0 : i32
      %dma_start3A_557 = tpu.memref_slice %arg2[%dma_start3A_555, %dma_start3A_556] : memref<4096x2048xf32, #tpu.memory_space<hbm>> -> memref<4096x2048xf32, #tpu.memory_space<hbm>>
      tpu.enqueue_indirect_dma source(%dma_start3A_557 : memref<4096x2048xf32, #tpu.memory_space<hbm>>) target(%arg7 : memref<8x2048xf32, #tpu.memory_space<vmem>>) offsets(%dma_start3A_554 : memref<8xi32, #tpu.memory_space<vmem>>) semaphore(%arg14 : memref<!tpu.dma_semaphore, #tpu.memory_space<semaphore_mem>>)
      %mul3A_558 = arith.constant 8 : i32
      %mul3A_559 = arith.muli %add3A_538, %mul3A_558 : i32
      %dma_wait3A_560 = tpu.memref_slice %arg5[%mul3A_559] : memref<512xi32, #tpu.memory_space<vmem>> -> memref<8xi32, #tpu.memory_space<vmem>>
      %dma_wait3A_561 = arith.constant 0 : i32
      %dma_wait3A_562 = arith.constant 0 : i32
      %dma_wait3A_563 = tpu.memref_slice %arg2[%dma_wait3A_561, %dma_wait3A_562] : memref<4096x2048xf32, #tpu.memory_space<hbm>> -> memref<4096x2048xf32, #tpu.memory_space<hbm>>
      tpu.wait_indirect_dma semaphore(%arg16 : memref<!tpu.dma_semaphore, #tpu.memory_space<semaphore_mem>>) src(%dma_wait3A_563 : memref<4096x2048xf32, #tpu.memory_space<hbm>>) dst(%arg9 : memref<8x2048xf32, #tpu.memory_space<vmem>>)
      %mul3A_564 = arith.constant 8 : i32
      %mul3A_565 = arith.muli %add3A_538, %mul3A_564 : i32
      %add3A_566 = arith.addi %mul3A_32, %mul3A_565 : i32
      %dma_start3A_567 = arith.constant 0 : i32
      %dma_start3A_568 = tpu.memref_slice %arg4[%select_n3A, %add3A_566, %dma_start3A_567] : memref<4x4096x2048xf32, #tpu.memory_space<hbm>> -> memref<1x8x2048xf32, #tpu.memory_space<hbm>>
      %dma_start3A_569 = tpu.memref_squeeze %dma_start3A_568 : memref<1x8x2048xf32, #tpu.memory_space<hbm>> -> memref<8x2048xf32, #tpu.memory_space<hbm>>
      %dma_start3A_570 = arith.constant 0 : i32
      %dma_start3A_571 = tpu.memref_slice %arg4[%select_n3A, %add3A_566, %dma_start3A_570] : memref<4x4096x2048xf32, #tpu.memory_space<hbm>> -> memref<1x8x2048xf32, #tpu.memory_space<hbm>>
      %dma_start3A_572 = tpu.memref_squeeze %dma_start3A_571 : memref<1x8x2048xf32, #tpu.memory_space<hbm>> -> memref<8x2048xf32, #tpu.memory_space<hbm>>
      tpu.enqueue_dma source(%arg9 : memref<8x2048xf32, #tpu.memory_space<vmem>>) target(%dma_start3A_572 : memref<8x2048xf32, #tpu.memory_space<hbm>>) target_semaphore(%arg23 : memref<!tpu.dma_semaphore, #tpu.memory_space<semaphore_mem>>)
      %add3A_573 = arith.constant 4 : i32
      %add3A_574 = arith.addi %mul3A_428, %add3A_573 : i32
      %sub3A_575 = arith.constant 2 : i32
      %sub3A_576 = arith.subi %add3A_574, %sub3A_575 : i32
      %mul3A_577 = arith.constant 8 : i32
      %mul3A_578 = arith.muli %sub3A_576, %mul3A_577 : i32
      %add3A_579 = arith.addi %mul3A_32, %mul3A_578 : i32
      %dma_wait3A_580 = arith.constant 0 : i32
      %dma_wait3A_581 = tpu.memref_slice %arg4[%select_n3A, %add3A_579, %dma_wait3A_580] : memref<4x4096x2048xf32, #tpu.memory_space<hbm>> -> memref<1x8x2048xf32, #tpu.memory_space<hbm>>
      %dma_wait3A_582 = tpu.memref_squeeze %dma_wait3A_581 : memref<1x8x2048xf32, #tpu.memory_space<hbm>> -> memref<8x2048xf32, #tpu.memory_space<hbm>>
      %dma_wait3A_583 = arith.constant 0 : i32
      %dma_wait3A_584 = tpu.memref_slice %arg4[%select_n3A, %add3A_579, %dma_wait3A_583] : memref<4x4096x2048xf32, #tpu.memory_space<hbm>> -> memref<1x8x2048xf32, #tpu.memory_space<hbm>>
      %dma_wait3A_585 = tpu.memref_squeeze %dma_wait3A_584 : memref<1x8x2048xf32, #tpu.memory_space<hbm>> -> memref<8x2048xf32, #tpu.memory_space<hbm>>
      tpu.wait_dma2 semaphore(%arg22 : memref<!tpu.dma_semaphore, #tpu.memory_space<semaphore_mem>>) src(%arg8 : memref<8x2048xf32, #tpu.memory_space<vmem>>) dst(%dma_wait3A_585 : memref<8x2048xf32, #tpu.memory_space<hbm>>)
      %add3A_586 = arith.constant 5 : i32
      %add3A_587 = arith.addi %add3A_574, %add3A_586 : i32
      %mul3A_588 = arith.constant 8 : i32
      %mul3A_589 = arith.muli %add3A_587, %mul3A_588 : i32
      %dma_start3A_590 = tpu.memref_slice %arg5[%mul3A_589] : memref<512xi32, #tpu.memory_space<vmem>> -> memref<8xi32, #tpu.memory_space<vmem>>
      %dma_start3A_591 = arith.constant 0 : i32
      %dma_start3A_592 = arith.constant 0 : i32
      %dma_start3A_593 = tpu.memref_slice %arg2[%dma_start3A_591, %dma_start3A_592] : memref<4096x2048xf32, #tpu.memory_space<hbm>> -> memref<4096x2048xf32, #tpu.memory_space<hbm>>
      tpu.enqueue_indirect_dma source(%dma_start3A_593 : memref<4096x2048xf32, #tpu.memory_space<hbm>>) target(%arg8 : memref<8x2048xf32, #tpu.memory_space<vmem>>) offsets(%dma_start3A_590 : memref<8xi32, #tpu.memory_space<vmem>>) semaphore(%arg15 : memref<!tpu.dma_semaphore, #tpu.memory_space<semaphore_mem>>)
      %mul3A_594 = arith.constant 8 : i32
      %mul3A_595 = arith.muli %add3A_574, %mul3A_594 : i32
      %dma_wait3A_596 = tpu.memref_slice %arg5[%mul3A_595] : memref<512xi32, #tpu.memory_space<vmem>> -> memref<8xi32, #tpu.memory_space<vmem>>
      %dma_wait3A_597 = arith.constant 0 : i32
      %dma_wait3A_598 = arith.constant 0 : i32
      %dma_wait3A_599 = tpu.memref_slice %arg2[%dma_wait3A_597, %dma_wait3A_598] : memref<4096x2048xf32, #tpu.memory_space<hbm>> -> memref<4096x2048xf32, #tpu.memory_space<hbm>>
      tpu.wait_indirect_dma semaphore(%arg17 : memref<!tpu.dma_semaphore, #tpu.memory_space<semaphore_mem>>) src(%dma_wait3A_599 : memref<4096x2048xf32, #tpu.memory_space<hbm>>) dst(%arg10 : memref<8x2048xf32, #tpu.memory_space<vmem>>)
      %mul3A_600 = arith.constant 8 : i32
      %mul3A_601 = arith.muli %add3A_574, %mul3A_600 : i32
      %add3A_602 = arith.addi %mul3A_32, %mul3A_601 : i32
      %dma_start3A_603 = arith.constant 0 : i32
      %dma_start3A_604 = tpu.memref_slice %arg4[%select_n3A, %add3A_602, %dma_start3A_603] : memref<4x4096x2048xf32, #tpu.memory_space<hbm>> -> memref<1x8x2048xf32, #tpu.memory_space<hbm>>
      %dma_start3A_605 = tpu.memref_squeeze %dma_start3A_604 : memref<1x8x2048xf32, #tpu.memory_space<hbm>> -> memref<8x2048xf32, #tpu.memory_space<hbm>>
      %dma_start3A_606 = arith.constant 0 : i32
      %dma_start3A_607 = tpu.memref_slice %arg4[%select_n3A, %add3A_602, %dma_start3A_606] : memref<4x4096x2048xf32, #tpu.memory_space<hbm>> -> memref<1x8x2048xf32, #tpu.memory_space<hbm>>
      %dma_start3A_608 = tpu.memref_squeeze %dma_start3A_607 : memref<1x8x2048xf32, #tpu.memory_space<hbm>> -> memref<8x2048xf32, #tpu.memory_space<hbm>>
      tpu.enqueue_dma source(%arg10 : memref<8x2048xf32, #tpu.memory_space<vmem>>) target(%dma_start3A_608 : memref<8x2048xf32, #tpu.memory_space<hbm>>) target_semaphore(%arg24 : memref<!tpu.dma_semaphore, #tpu.memory_space<semaphore_mem>>)
      %add3A_609 = arith.constant 5 : i32
      %add3A_610 = arith.addi %mul3A_428, %add3A_609 : i32
      %sub3A_611 = arith.constant 2 : i32
      %sub3A_612 = arith.subi %add3A_610, %sub3A_611 : i32
      %mul3A_613 = arith.constant 8 : i32
      %mul3A_614 = arith.muli %sub3A_612, %mul3A_613 : i32
      %add3A_615 = arith.addi %mul3A_32, %mul3A_614 : i32
      %dma_wait3A_616 = arith.constant 0 : i32
      %dma_wait3A_617 = tpu.memref_slice %arg4[%select_n3A, %add3A_615, %dma_wait3A_616] : memref<4x4096x2048xf32, #tpu.memory_space<hbm>> -> memref<1x8x2048xf32, #tpu.memory_space<hbm>>
      %dma_wait3A_618 = tpu.memref_squeeze %dma_wait3A_617 : memref<1x8x2048xf32, #tpu.memory_space<hbm>> -> memref<8x2048xf32, #tpu.memory_space<hbm>>
      %dma_wait3A_619 = arith.constant 0 : i32
      %dma_wait3A_620 = tpu.memref_slice %arg4[%select_n3A, %add3A_615, %dma_wait3A_619] : memref<4x4096x2048xf32, #tpu.memory_space<hbm>> -> memref<1x8x2048xf32, #tpu.memory_space<hbm>>
      %dma_wait3A_621 = tpu.memref_squeeze %dma_wait3A_620 : memref<1x8x2048xf32, #tpu.memory_space<hbm>> -> memref<8x2048xf32, #tpu.memory_space<hbm>>
      tpu.wait_dma2 semaphore(%arg23 : memref<!tpu.dma_semaphore, #tpu.memory_space<semaphore_mem>>) src(%arg9 : memref<8x2048xf32, #tpu.memory_space<vmem>>) dst(%dma_wait3A_621 : memref<8x2048xf32, #tpu.memory_space<hbm>>)
      %add3A_622 = arith.constant 5 : i32
      %add3A_623 = arith.addi %add3A_610, %add3A_622 : i32
      %mul3A_624 = arith.constant 8 : i32
      %mul3A_625 = arith.muli %add3A_623, %mul3A_624 : i32
      %dma_start3A_626 = tpu.memref_slice %arg5[%mul3A_625] : memref<512xi32, #tpu.memory_space<vmem>> -> memref<8xi32, #tpu.memory_space<vmem>>
      %dma_start3A_627 = arith.constant 0 : i32
      %dma_start3A_628 = arith.constant 0 : i32
      %dma_start3A_629 = tpu.memref_slice %arg2[%dma_start3A_627, %dma_start3A_628] : memref<4096x2048xf32, #tpu.memory_space<hbm>> -> memref<4096x2048xf32, #tpu.memory_space<hbm>>
      tpu.enqueue_indirect_dma source(%dma_start3A_629 : memref<4096x2048xf32, #tpu.memory_space<hbm>>) target(%arg9 : memref<8x2048xf32, #tpu.memory_space<vmem>>) offsets(%dma_start3A_626 : memref<8xi32, #tpu.memory_space<vmem>>) semaphore(%arg16 : memref<!tpu.dma_semaphore, #tpu.memory_space<semaphore_mem>>)
      %mul3A_630 = arith.constant 8 : i32
      %mul3A_631 = arith.muli %add3A_610, %mul3A_630 : i32
      %dma_wait3A_632 = tpu.memref_slice %arg5[%mul3A_631] : memref<512xi32, #tpu.memory_space<vmem>> -> memref<8xi32, #tpu.memory_space<vmem>>
      %dma_wait3A_633 = arith.constant 0 : i32
      %dma_wait3A_634 = arith.constant 0 : i32
      %dma_wait3A_635 = tpu.memref_slice %arg2[%dma_wait3A_633, %dma_wait3A_634] : memref<4096x2048xf32, #tpu.memory_space<hbm>> -> memref<4096x2048xf32, #tpu.memory_space<hbm>>
      tpu.wait_indirect_dma semaphore(%arg18 : memref<!tpu.dma_semaphore, #tpu.memory_space<semaphore_mem>>) src(%dma_wait3A_635 : memref<4096x2048xf32, #tpu.memory_space<hbm>>) dst(%arg11 : memref<8x2048xf32, #tpu.memory_space<vmem>>)
      %mul3A_636 = arith.constant 8 : i32
      %mul3A_637 = arith.muli %add3A_610, %mul3A_636 : i32
      %add3A_638 = arith.addi %mul3A_32, %mul3A_637 : i32
      %dma_start3A_639 = arith.constant 0 : i32
      %dma_start3A_640 = tpu.memref_slice %arg4[%select_n3A, %add3A_638, %dma_start3A_639] : memref<4x4096x2048xf32, #tpu.memory_space<hbm>> -> memref<1x8x2048xf32, #tpu.memory_space<hbm>>
      %dma_start3A_641 = tpu.memref_squeeze %dma_start3A_640 : memref<1x8x2048xf32, #tpu.memory_space<hbm>> -> memref<8x2048xf32, #tpu.memory_space<hbm>>
      %dma_start3A_642 = arith.constant 0 : i32
      %dma_start3A_643 = tpu.memref_slice %arg4[%select_n3A, %add3A_638, %dma_start3A_642] : memref<4x4096x2048xf32, #tpu.memory_space<hbm>> -> memref<1x8x2048xf32, #tpu.memory_space<hbm>>
      %dma_start3A_644 = tpu.memref_squeeze %dma_start3A_643 : memref<1x8x2048xf32, #tpu.memory_space<hbm>> -> memref<8x2048xf32, #tpu.memory_space<hbm>>
      tpu.enqueue_dma source(%arg11 : memref<8x2048xf32, #tpu.memory_space<vmem>>) target(%dma_start3A_644 : memref<8x2048xf32, #tpu.memory_space<hbm>>) target_semaphore(%arg25 : memref<!tpu.dma_semaphore, #tpu.memory_space<semaphore_mem>>)
      %add3A_645 = arith.constant 6 : i32
      %add3A_646 = arith.addi %mul3A_428, %add3A_645 : i32
      %sub3A_647 = arith.constant 2 : i32
      %sub3A_648 = arith.subi %add3A_646, %sub3A_647 : i32
      %mul3A_649 = arith.constant 8 : i32
      %mul3A_650 = arith.muli %sub3A_648, %mul3A_649 : i32
      %add3A_651 = arith.addi %mul3A_32, %mul3A_650 : i32
      %dma_wait3A_652 = arith.constant 0 : i32
      %dma_wait3A_653 = tpu.memref_slice %arg4[%select_n3A, %add3A_651, %dma_wait3A_652] : memref<4x4096x2048xf32, #tpu.memory_space<hbm>> -> memref<1x8x2048xf32, #tpu.memory_space<hbm>>
      %dma_wait3A_654 = tpu.memref_squeeze %dma_wait3A_653 : memref<1x8x2048xf32, #tpu.memory_space<hbm>> -> memref<8x2048xf32, #tpu.memory_space<hbm>>
      %dma_wait3A_655 = arith.constant 0 : i32
      %dma_wait3A_656 = tpu.memref_slice %arg4[%select_n3A, %add3A_651, %dma_wait3A_655] : memref<4x4096x2048xf32, #tpu.memory_space<hbm>> -> memref<1x8x2048xf32, #tpu.memory_space<hbm>>
      %dma_wait3A_657 = tpu.memref_squeeze %dma_wait3A_656 : memref<1x8x2048xf32, #tpu.memory_space<hbm>> -> memref<8x2048xf32, #tpu.memory_space<hbm>>
      tpu.wait_dma2 semaphore(%arg24 : memref<!tpu.dma_semaphore, #tpu.memory_space<semaphore_mem>>) src(%arg10 : memref<8x2048xf32, #tpu.memory_space<vmem>>) dst(%dma_wait3A_657 : memref<8x2048xf32, #tpu.memory_space<hbm>>)
      %add3A_658 = arith.constant 5 : i32
      %add3A_659 = arith.addi %add3A_646, %add3A_658 : i32
      %mul3A_660 = arith.constant 8 : i32
      %mul3A_661 = arith.muli %add3A_659, %mul3A_660 : i32
      %dma_start3A_662 = tpu.memref_slice %arg5[%mul3A_661] : memref<512xi32, #tpu.memory_space<vmem>> -> memref<8xi32, #tpu.memory_space<vmem>>
      %dma_start3A_663 = arith.constant 0 : i32
      %dma_start3A_664 = arith.constant 0 : i32
      %dma_start3A_665 = tpu.memref_slice %arg2[%dma_start3A_663, %dma_start3A_664] : memref<4096x2048xf32, #tpu.memory_space<hbm>> -> memref<4096x2048xf32, #tpu.memory_space<hbm>>
      tpu.enqueue_indirect_dma source(%dma_start3A_665 : memref<4096x2048xf32, #tpu.memory_space<hbm>>) target(%arg10 : memref<8x2048xf32, #tpu.memory_space<vmem>>) offsets(%dma_start3A_662 : memref<8xi32, #tpu.memory_space<vmem>>) semaphore(%arg17 : memref<!tpu.dma_semaphore, #tpu.memory_space<semaphore_mem>>)
      %mul3A_666 = arith.constant 8 : i32
      %mul3A_667 = arith.muli %add3A_646, %mul3A_666 : i32
      %dma_wait3A_668 = tpu.memref_slice %arg5[%mul3A_667] : memref<512xi32, #tpu.memory_space<vmem>> -> memref<8xi32, #tpu.memory_space<vmem>>
      %dma_wait3A_669 = arith.constant 0 : i32
      %dma_wait3A_670 = arith.constant 0 : i32
      %dma_wait3A_671 = tpu.memref_slice %arg2[%dma_wait3A_669, %dma_wait3A_670] : memref<4096x2048xf32, #tpu.memory_space<hbm>> -> memref<4096x2048xf32, #tpu.memory_space<hbm>>
      tpu.wait_indirect_dma semaphore(%arg19 : memref<!tpu.dma_semaphore, #tpu.memory_space<semaphore_mem>>) src(%dma_wait3A_671 : memref<4096x2048xf32, #tpu.memory_space<hbm>>) dst(%arg12 : memref<8x2048xf32, #tpu.memory_space<vmem>>)
      %mul3A_672 = arith.constant 8 : i32
      %mul3A_673 = arith.muli %add3A_646, %mul3A_672 : i32
      %add3A_674 = arith.addi %mul3A_32, %mul3A_673 : i32
      %dma_start3A_675 = arith.constant 0 : i32
      %dma_start3A_676 = tpu.memref_slice %arg4[%select_n3A, %add3A_674, %dma_start3A_675] : memref<4x4096x2048xf32, #tpu.memory_space<hbm>> -> memref<1x8x2048xf32, #tpu.memory_space<hbm>>
      %dma_start3A_677 = tpu.memref_squeeze %dma_start3A_676 : memref<1x8x2048xf32, #tpu.memory_space<hbm>> -> memref<8x2048xf32, #tpu.memory_space<hbm>>
      %dma_start3A_678 = arith.constant 0 : i32
      %dma_start3A_679 = tpu.memref_slice %arg4[%select_n3A, %add3A_674, %dma_start3A_678] : memref<4x4096x2048xf32, #tpu.memory_space<hbm>> -> memref<1x8x2048xf32, #tpu.memory_space<hbm>>
      %dma_start3A_680 = tpu.memref_squeeze %dma_start3A_679 : memref<1x8x2048xf32, #tpu.memory_space<hbm>> -> memref<8x2048xf32, #tpu.memory_space<hbm>>
      tpu.enqueue_dma source(%arg12 : memref<8x2048xf32, #tpu.memory_space<vmem>>) target(%dma_start3A_680 : memref<8x2048xf32, #tpu.memory_space<hbm>>) target_semaphore(%arg26 : memref<!tpu.dma_semaphore, #tpu.memory_space<semaphore_mem>>)
    }
    %scan3A_226 = arith.constant 7 : i32
    %add3A_227 = arith.constant 432 : i32
    %add3A_228 = arith.addi %mul3A_32, %add3A_227 : i32
    %dma_wait3A_229 = arith.constant 0 : i32
    %dma_wait3A_230 = tpu.memref_slice %arg4[%select_n3A, %add3A_228, %dma_wait3A_229] : memref<4x4096x2048xf32, #tpu.memory_space<hbm>> -> memref<1x8x2048xf32, #tpu.memory_space<hbm>>
    %dma_wait3A_231 = tpu.memref_squeeze %dma_wait3A_230 : memref<1x8x2048xf32, #tpu.memory_space<hbm>> -> memref<8x2048xf32, #tpu.memory_space<hbm>>
    %dma_wait3A_232 = arith.constant 0 : i32
    %dma_wait3A_233 = tpu.memref_slice %arg4[%select_n3A, %add3A_228, %dma_wait3A_232] : memref<4x4096x2048xf32, #tpu.memory_space<hbm>> -> memref<1x8x2048xf32, #tpu.memory_space<hbm>>
    %dma_wait3A_234 = tpu.memref_squeeze %dma_wait3A_233 : memref<1x8x2048xf32, #tpu.memory_space<hbm>> -> memref<8x2048xf32, #tpu.memory_space<hbm>>
    tpu.wait_dma2 semaphore(%arg25 : memref<!tpu.dma_semaphore, #tpu.memory_space<semaphore_mem>>) src(%arg11 : memref<8x2048xf32, #tpu.memory_space<vmem>>) dst(%dma_wait3A_234 : memref<8x2048xf32, #tpu.memory_space<hbm>>)
    %dma_start3A_235 = arith.constant 488 : i32
    %dma_start3A_236 = tpu.memref_slice %arg5[%dma_start3A_235] : memref<512xi32, #tpu.memory_space<vmem>> -> memref<8xi32, #tpu.memory_space<vmem>>
    %dma_start3A_237 = arith.constant 0 : i32
    %dma_start3A_238 = arith.constant 0 : i32
    %dma_start3A_239 = tpu.memref_slice %arg2[%dma_start3A_237, %dma_start3A_238] : memref<4096x2048xf32, #tpu.memory_space<hbm>> -> memref<4096x2048xf32, #tpu.memory_space<hbm>>
    tpu.enqueue_indirect_dma source(%dma_start3A_239 : memref<4096x2048xf32, #tpu.memory_space<hbm>>) target(%arg11 : memref<8x2048xf32, #tpu.memory_space<vmem>>) offsets(%dma_start3A_236 : memref<8xi32, #tpu.memory_space<vmem>>) semaphore(%arg18 : memref<!tpu.dma_semaphore, #tpu.memory_space<semaphore_mem>>)
    %dma_wait3A_240 = arith.constant 448 : i32
    %dma_wait3A_241 = tpu.memref_slice %arg5[%dma_wait3A_240] : memref<512xi32, #tpu.memory_space<vmem>> -> memref<8xi32, #tpu.memory_space<vmem>>
    %dma_wait3A_242 = arith.constant 0 : i32
    %dma_wait3A_243 = arith.constant 0 : i32
    %dma_wait3A_244 = tpu.memref_slice %arg2[%dma_wait3A_242, %dma_wait3A_243] : memref<4096x2048xf32, #tpu.memory_space<hbm>> -> memref<4096x2048xf32, #tpu.memory_space<hbm>>
    tpu.wait_indirect_dma semaphore(%arg13 : memref<!tpu.dma_semaphore, #tpu.memory_space<semaphore_mem>>) src(%dma_wait3A_244 : memref<4096x2048xf32, #tpu.memory_space<hbm>>) dst(%arg6 : memref<8x2048xf32, #tpu.memory_space<vmem>>)
    %add3A_245 = arith.constant 448 : i32
    %add3A_246 = arith.addi %mul3A_32, %add3A_245 : i32
    %dma_start3A_247 = arith.constant 0 : i32
    %dma_start3A_248 = tpu.memref_slice %arg4[%select_n3A, %add3A_246, %dma_start3A_247] : memref<4x4096x2048xf32, #tpu.memory_space<hbm>> -> memref<1x8x2048xf32, #tpu.memory_space<hbm>>
    %dma_start3A_249 = tpu.memref_squeeze %dma_start3A_248 : memref<1x8x2048xf32, #tpu.memory_space<hbm>> -> memref<8x2048xf32, #tpu.memory_space<hbm>>
    %dma_start3A_250 = arith.constant 0 : i32
    %dma_start3A_251 = tpu.memref_slice %arg4[%select_n3A, %add3A_246, %dma_start3A_250] : memref<4x4096x2048xf32, #tpu.memory_space<hbm>> -> memref<1x8x2048xf32, #tpu.memory_space<hbm>>
    %dma_start3A_252 = tpu.memref_squeeze %dma_start3A_251 : memref<1x8x2048xf32, #tpu.memory_space<hbm>> -> memref<8x2048xf32, #tpu.memory_space<hbm>>
    tpu.enqueue_dma source(%arg6 : memref<8x2048xf32, #tpu.memory_space<vmem>>) target(%dma_start3A_252 : memref<8x2048xf32, #tpu.memory_space<hbm>>) target_semaphore(%arg20 : memref<!tpu.dma_semaphore, #tpu.memory_space<semaphore_mem>>)
    %add3A_253 = arith.constant 440 : i32
    %add3A_254 = arith.addi %mul3A_32, %add3A_253 : i32
    %dma_wait3A_255 = arith.constant 0 : i32
    %dma_wait3A_256 = tpu.memref_slice %arg4[%select_n3A, %add3A_254, %dma_wait3A_255] : memref<4x4096x2048xf32, #tpu.memory_space<hbm>> -> memref<1x8x2048xf32, #tpu.memory_space<hbm>>
    %dma_wait3A_257 = tpu.memref_squeeze %dma_wait3A_256 : memref<1x8x2048xf32, #tpu.memory_space<hbm>> -> memref<8x2048xf32, #tpu.memory_space<hbm>>
    %dma_wait3A_258 = arith.constant 0 : i32
    %dma_wait3A_259 = tpu.memref_slice %arg4[%select_n3A, %add3A_254, %dma_wait3A_258] : memref<4x4096x2048xf32, #tpu.memory_space<hbm>> -> memref<1x8x2048xf32, #tpu.memory_space<hbm>>
    %dma_wait3A_260 = tpu.memref_squeeze %dma_wait3A_259 : memref<1x8x2048xf32, #tpu.memory_space<hbm>> -> memref<8x2048xf32, #tpu.memory_space<hbm>>
    tpu.wait_dma2 semaphore(%arg26 : memref<!tpu.dma_semaphore, #tpu.memory_space<semaphore_mem>>) src(%arg12 : memref<8x2048xf32, #tpu.memory_space<vmem>>) dst(%dma_wait3A_260 : memref<8x2048xf32, #tpu.memory_space<hbm>>)
    %dma_start3A_261 = arith.constant 496 : i32
    %dma_start3A_262 = tpu.memref_slice %arg5[%dma_start3A_261] : memref<512xi32, #tpu.memory_space<vmem>> -> memref<8xi32, #tpu.memory_space<vmem>>
    %dma_start3A_263 = arith.constant 0 : i32
    %dma_start3A_264 = arith.constant 0 : i32
    %dma_start3A_265 = tpu.memref_slice %arg2[%dma_start3A_263, %dma_start3A_264] : memref<4096x2048xf32, #tpu.memory_space<hbm>> -> memref<4096x2048xf32, #tpu.memory_space<hbm>>
    tpu.enqueue_indirect_dma source(%dma_start3A_265 : memref<4096x2048xf32, #tpu.memory_space<hbm>>) target(%arg12 : memref<8x2048xf32, #tpu.memory_space<vmem>>) offsets(%dma_start3A_262 : memref<8xi32, #tpu.memory_space<vmem>>) semaphore(%arg19 : memref<!tpu.dma_semaphore, #tpu.memory_space<semaphore_mem>>)
    %dma_wait3A_266 = arith.constant 456 : i32
    %dma_wait3A_267 = tpu.memref_slice %arg5[%dma_wait3A_266] : memref<512xi32, #tpu.memory_space<vmem>> -> memref<8xi32, #tpu.memory_space<vmem>>
    %dma_wait3A_268 = arith.constant 0 : i32
    %dma_wait3A_269 = arith.constant 0 : i32
    %dma_wait3A_270 = tpu.memref_slice %arg2[%dma_wait3A_268, %dma_wait3A_269] : memref<4096x2048xf32, #tpu.memory_space<hbm>> -> memref<4096x2048xf32, #tpu.memory_space<hbm>>
    tpu.wait_indirect_dma semaphore(%arg14 : memref<!tpu.dma_semaphore, #tpu.memory_space<semaphore_mem>>) src(%dma_wait3A_270 : memref<4096x2048xf32, #tpu.memory_space<hbm>>) dst(%arg7 : memref<8x2048xf32, #tpu.memory_space<vmem>>)
    %add3A_271 = arith.constant 456 : i32
    %add3A_272 = arith.addi %mul3A_32, %add3A_271 : i32
    %dma_start3A_273 = arith.constant 0 : i32
    %dma_start3A_274 = tpu.memref_slice %arg4[%select_n3A, %add3A_272, %dma_start3A_273] : memref<4x4096x2048xf32, #tpu.memory_space<hbm>> -> memref<1x8x2048xf32, #tpu.memory_space<hbm>>
    %dma_start3A_275 = tpu.memref_squeeze %dma_start3A_274 : memref<1x8x2048xf32, #tpu.memory_space<hbm>> -> memref<8x2048xf32, #tpu.memory_space<hbm>>
    %dma_start3A_276 = arith.constant 0 : i32
    %dma_start3A_277 = tpu.memref_slice %arg4[%select_n3A, %add3A_272, %dma_start3A_276] : memref<4x4096x2048xf32, #tpu.memory_space<hbm>> -> memref<1x8x2048xf32, #tpu.memory_space<hbm>>
    %dma_start3A_278 = tpu.memref_squeeze %dma_start3A_277 : memref<1x8x2048xf32, #tpu.memory_space<hbm>> -> memref<8x2048xf32, #tpu.memory_space<hbm>>
    tpu.enqueue_dma source(%arg7 : memref<8x2048xf32, #tpu.memory_space<vmem>>) target(%dma_start3A_278 : memref<8x2048xf32, #tpu.memory_space<hbm>>) target_semaphore(%arg21 : memref<!tpu.dma_semaphore, #tpu.memory_space<semaphore_mem>>)
    %add3A_279 = arith.constant 448 : i32
    %add3A_280 = arith.addi %mul3A_32, %add3A_279 : i32
    %dma_wait3A_281 = arith.constant 0 : i32
    %dma_wait3A_282 = tpu.memref_slice %arg4[%select_n3A, %add3A_280, %dma_wait3A_281] : memref<4x4096x2048xf32, #tpu.memory_space<hbm>> -> memref<1x8x2048xf32, #tpu.memory_space<hbm>>
    %dma_wait3A_283 = tpu.memref_squeeze %dma_wait3A_282 : memref<1x8x2048xf32, #tpu.memory_space<hbm>> -> memref<8x2048xf32, #tpu.memory_space<hbm>>
    %dma_wait3A_284 = arith.constant 0 : i32
    %dma_wait3A_285 = tpu.memref_slice %arg4[%select_n3A, %add3A_280, %dma_wait3A_284] : memref<4x4096x2048xf32, #tpu.memory_space<hbm>> -> memref<1x8x2048xf32, #tpu.memory_space<hbm>>
    %dma_wait3A_286 = tpu.memref_squeeze %dma_wait3A_285 : memref<1x8x2048xf32, #tpu.memory_space<hbm>> -> memref<8x2048xf32, #tpu.memory_space<hbm>>
    tpu.wait_dma2 semaphore(%arg20 : memref<!tpu.dma_semaphore, #tpu.memory_space<semaphore_mem>>) src(%arg6 : memref<8x2048xf32, #tpu.memory_space<vmem>>) dst(%dma_wait3A_286 : memref<8x2048xf32, #tpu.memory_space<hbm>>)
    %dma_start3A_287 = arith.constant 504 : i32
    %dma_start3A_288 = tpu.memref_slice %arg5[%dma_start3A_287] : memref<512xi32, #tpu.memory_space<vmem>> -> memref<8xi32, #tpu.memory_space<vmem>>
    %dma_start3A_289 = arith.constant 0 : i32
    %dma_start3A_290 = arith.constant 0 : i32
    %dma_start3A_291 = tpu.memref_slice %arg2[%dma_start3A_289, %dma_start3A_290] : memref<4096x2048xf32, #tpu.memory_space<hbm>> -> memref<4096x2048xf32, #tpu.memory_space<hbm>>
    tpu.enqueue_indirect_dma source(%dma_start3A_291 : memref<4096x2048xf32, #tpu.memory_space<hbm>>) target(%arg6 : memref<8x2048xf32, #tpu.memory_space<vmem>>) offsets(%dma_start3A_288 : memref<8xi32, #tpu.memory_space<vmem>>) semaphore(%arg13 : memref<!tpu.dma_semaphore, #tpu.memory_space<semaphore_mem>>)
    %dma_wait3A_292 = arith.constant 464 : i32
    %dma_wait3A_293 = tpu.memref_slice %arg5[%dma_wait3A_292] : memref<512xi32, #tpu.memory_space<vmem>> -> memref<8xi32, #tpu.memory_space<vmem>>
    %dma_wait3A_294 = arith.constant 0 : i32
    %dma_wait3A_295 = arith.constant 0 : i32
    %dma_wait3A_296 = tpu.memref_slice %arg2[%dma_wait3A_294, %dma_wait3A_295] : memref<4096x2048xf32, #tpu.memory_space<hbm>> -> memref<4096x2048xf32, #tpu.memory_space<hbm>>
    tpu.wait_indirect_dma semaphore(%arg15 : memref<!tpu.dma_semaphore, #tpu.memory_space<semaphore_mem>>) src(%dma_wait3A_296 : memref<4096x2048xf32, #tpu.memory_space<hbm>>) dst(%arg8 : memref<8x2048xf32, #tpu.memory_space<vmem>>)
    %add3A_297 = arith.constant 464 : i32
    %add3A_298 = arith.addi %mul3A_32, %add3A_297 : i32
    %dma_start3A_299 = arith.constant 0 : i32
    %dma_start3A_300 = tpu.memref_slice %arg4[%select_n3A, %add3A_298, %dma_start3A_299] : memref<4x4096x2048xf32, #tpu.memory_space<hbm>> -> memref<1x8x2048xf32, #tpu.memory_space<hbm>>
    %dma_start3A_301 = tpu.memref_squeeze %dma_start3A_300 : memref<1x8x2048xf32, #tpu.memory_space<hbm>> -> memref<8x2048xf32, #tpu.memory_space<hbm>>
    %dma_start3A_302 = arith.constant 0 : i32
    %dma_start3A_303 = tpu.memref_slice %arg4[%select_n3A, %add3A_298, %dma_start3A_302] : memref<4x4096x2048xf32, #tpu.memory_space<hbm>> -> memref<1x8x2048xf32, #tpu.memory_space<hbm>>
    %dma_start3A_304 = tpu.memref_squeeze %dma_start3A_303 : memref<1x8x2048xf32, #tpu.memory_space<hbm>> -> memref<8x2048xf32, #tpu.memory_space<hbm>>
    tpu.enqueue_dma source(%arg8 : memref<8x2048xf32, #tpu.memory_space<vmem>>) target(%dma_start3A_304 : memref<8x2048xf32, #tpu.memory_space<hbm>>) target_semaphore(%arg22 : memref<!tpu.dma_semaphore, #tpu.memory_space<semaphore_mem>>)
    %add3A_305 = arith.constant 456 : i32
    %add3A_306 = arith.addi %mul3A_32, %add3A_305 : i32
    %dma_wait3A_307 = arith.constant 0 : i32
    %dma_wait3A_308 = tpu.memref_slice %arg4[%select_n3A, %add3A_306, %dma_wait3A_307] : memref<4x4096x2048xf32, #tpu.memory_space<hbm>> -> memref<1x8x2048xf32, #tpu.memory_space<hbm>>
    %dma_wait3A_309 = tpu.memref_squeeze %dma_wait3A_308 : memref<1x8x2048xf32, #tpu.memory_space<hbm>> -> memref<8x2048xf32, #tpu.memory_space<hbm>>
    %dma_wait3A_310 = arith.constant 0 : i32
    %dma_wait3A_311 = tpu.memref_slice %arg4[%select_n3A, %add3A_306, %dma_wait3A_310] : memref<4x4096x2048xf32, #tpu.memory_space<hbm>> -> memref<1x8x2048xf32, #tpu.memory_space<hbm>>
    %dma_wait3A_312 = tpu.memref_squeeze %dma_wait3A_311 : memref<1x8x2048xf32, #tpu.memory_space<hbm>> -> memref<8x2048xf32, #tpu.memory_space<hbm>>
    tpu.wait_dma2 semaphore(%arg21 : memref<!tpu.dma_semaphore, #tpu.memory_space<semaphore_mem>>) src(%arg7 : memref<8x2048xf32, #tpu.memory_space<vmem>>) dst(%dma_wait3A_312 : memref<8x2048xf32, #tpu.memory_space<hbm>>)
    %dma_wait3A_313 = arith.constant 472 : i32
    %dma_wait3A_314 = tpu.memref_slice %arg5[%dma_wait3A_313] : memref<512xi32, #tpu.memory_space<vmem>> -> memref<8xi32, #tpu.memory_space<vmem>>
    %dma_wait3A_315 = arith.constant 0 : i32
    %dma_wait3A_316 = arith.constant 0 : i32
    %dma_wait3A_317 = tpu.memref_slice %arg2[%dma_wait3A_315, %dma_wait3A_316] : memref<4096x2048xf32, #tpu.memory_space<hbm>> -> memref<4096x2048xf32, #tpu.memory_space<hbm>>
    tpu.wait_indirect_dma semaphore(%arg16 : memref<!tpu.dma_semaphore, #tpu.memory_space<semaphore_mem>>) src(%dma_wait3A_317 : memref<4096x2048xf32, #tpu.memory_space<hbm>>) dst(%arg9 : memref<8x2048xf32, #tpu.memory_space<vmem>>)
    %add3A_318 = arith.constant 472 : i32
    %add3A_319 = arith.addi %mul3A_32, %add3A_318 : i32
    %dma_start3A_320 = arith.constant 0 : i32
    %dma_start3A_321 = tpu.memref_slice %arg4[%select_n3A, %add3A_319, %dma_start3A_320] : memref<4x4096x2048xf32, #tpu.memory_space<hbm>> -> memref<1x8x2048xf32, #tpu.memory_space<hbm>>
    %dma_start3A_322 = tpu.memref_squeeze %dma_start3A_321 : memref<1x8x2048xf32, #tpu.memory_space<hbm>> -> memref<8x2048xf32, #tpu.memory_space<hbm>>
    %dma_start3A_323 = arith.constant 0 : i32
    %dma_start3A_324 = tpu.memref_slice %arg4[%select_n3A, %add3A_319, %dma_start3A_323] : memref<4x4096x2048xf32, #tpu.memory_space<hbm>> -> memref<1x8x2048xf32, #tpu.memory_space<hbm>>
    %dma_start3A_325 = tpu.memref_squeeze %dma_start3A_324 : memref<1x8x2048xf32, #tpu.memory_space<hbm>> -> memref<8x2048xf32, #tpu.memory_space<hbm>>
    tpu.enqueue_dma source(%arg9 : memref<8x2048xf32, #tpu.memory_space<vmem>>) target(%dma_start3A_325 : memref<8x2048xf32, #tpu.memory_space<hbm>>) target_semaphore(%arg23 : memref<!tpu.dma_semaphore, #tpu.memory_space<semaphore_mem>>)
    %add3A_326 = arith.constant 464 : i32
    %add3A_327 = arith.addi %mul3A_32, %add3A_326 : i32
    %dma_wait3A_328 = arith.constant 0 : i32
    %dma_wait3A_329 = tpu.memref_slice %arg4[%select_n3A, %add3A_327, %dma_wait3A_328] : memref<4x4096x2048xf32, #tpu.memory_space<hbm>> -> memref<1x8x2048xf32, #tpu.memory_space<hbm>>
    %dma_wait3A_330 = tpu.memref_squeeze %dma_wait3A_329 : memref<1x8x2048xf32, #tpu.memory_space<hbm>> -> memref<8x2048xf32, #tpu.memory_space<hbm>>
    %dma_wait3A_331 = arith.constant 0 : i32
    %dma_wait3A_332 = tpu.memref_slice %arg4[%select_n3A, %add3A_327, %dma_wait3A_331] : memref<4x4096x2048xf32, #tpu.memory_space<hbm>> -> memref<1x8x2048xf32, #tpu.memory_space<hbm>>
    %dma_wait3A_333 = tpu.memref_squeeze %dma_wait3A_332 : memref<1x8x2048xf32, #tpu.memory_space<hbm>> -> memref<8x2048xf32, #tpu.memory_space<hbm>>
    tpu.wait_dma2 semaphore(%arg22 : memref<!tpu.dma_semaphore, #tpu.memory_space<semaphore_mem>>) src(%arg8 : memref<8x2048xf32, #tpu.memory_space<vmem>>) dst(%dma_wait3A_333 : memref<8x2048xf32, #tpu.memory_space<hbm>>)
    %dma_wait3A_334 = arith.constant 480 : i32
    %dma_wait3A_335 = tpu.memref_slice %arg5[%dma_wait3A_334] : memref<512xi32, #tpu.memory_space<vmem>> -> memref<8xi32, #tpu.memory_space<vmem>>
    %dma_wait3A_336 = arith.constant 0 : i32
    %dma_wait3A_337 = arith.constant 0 : i32
    %dma_wait3A_338 = tpu.memref_slice %arg2[%dma_wait3A_336, %dma_wait3A_337] : memref<4096x2048xf32, #tpu.memory_space<hbm>> -> memref<4096x2048xf32, #tpu.memory_space<hbm>>
    tpu.wait_indirect_dma semaphore(%arg17 : memref<!tpu.dma_semaphore, #tpu.memory_space<semaphore_mem>>) src(%dma_wait3A_338 : memref<4096x2048xf32, #tpu.memory_space<hbm>>) dst(%arg10 : memref<8x2048xf32, #tpu.memory_space<vmem>>)
    %add3A_339 = arith.constant 480 : i32
    %add3A_340 = arith.addi %mul3A_32, %add3A_339 : i32
    %dma_start3A_341 = arith.constant 0 : i32
    %dma_start3A_342 = tpu.memref_slice %arg4[%select_n3A, %add3A_340, %dma_start3A_341] : memref<4x4096x2048xf32, #tpu.memory_space<hbm>> -> memref<1x8x2048xf32, #tpu.memory_space<hbm>>
    %dma_start3A_343 = tpu.memref_squeeze %dma_start3A_342 : memref<1x8x2048xf32, #tpu.memory_space<hbm>> -> memref<8x2048xf32, #tpu.memory_space<hbm>>
    %dma_start3A_344 = arith.constant 0 : i32
    %dma_start3A_345 = tpu.memref_slice %arg4[%select_n3A, %add3A_340, %dma_start3A_344] : memref<4x4096x2048xf32, #tpu.memory_space<hbm>> -> memref<1x8x2048xf32, #tpu.memory_space<hbm>>
    %dma_start3A_346 = tpu.memref_squeeze %dma_start3A_345 : memref<1x8x2048xf32, #tpu.memory_space<hbm>> -> memref<8x2048xf32, #tpu.memory_space<hbm>>
    tpu.enqueue_dma source(%arg10 : memref<8x2048xf32, #tpu.memory_space<vmem>>) target(%dma_start3A_346 : memref<8x2048xf32, #tpu.memory_space<hbm>>) target_semaphore(%arg24 : memref<!tpu.dma_semaphore, #tpu.memory_space<semaphore_mem>>)
    %add3A_347 = arith.constant 472 : i32
    %add3A_348 = arith.addi %mul3A_32, %add3A_347 : i32
    %dma_wait3A_349 = arith.constant 0 : i32
    %dma_wait3A_350 = tpu.memref_slice %arg4[%select_n3A, %add3A_348, %dma_wait3A_349] : memref<4x4096x2048xf32, #tpu.memory_space<hbm>> -> memref<1x8x2048xf32, #tpu.memory_space<hbm>>
    %dma_wait3A_351 = tpu.memref_squeeze %dma_wait3A_350 : memref<1x8x2048xf32, #tpu.memory_space<hbm>> -> memref<8x2048xf32, #tpu.memory_space<hbm>>
    %dma_wait3A_352 = arith.constant 0 : i32
    %dma_wait3A_353 = tpu.memref_slice %arg4[%select_n3A, %add3A_348, %dma_wait3A_352] : memref<4x4096x2048xf32, #tpu.memory_space<hbm>> -> memref<1x8x2048xf32, #tpu.memory_space<hbm>>
    %dma_wait3A_354 = tpu.memref_squeeze %dma_wait3A_353 : memref<1x8x2048xf32, #tpu.memory_space<hbm>> -> memref<8x2048xf32, #tpu.memory_space<hbm>>
    tpu.wait_dma2 semaphore(%arg23 : memref<!tpu.dma_semaphore, #tpu.memory_space<semaphore_mem>>) src(%arg9 : memref<8x2048xf32, #tpu.memory_space<vmem>>) dst(%dma_wait3A_354 : memref<8x2048xf32, #tpu.memory_space<hbm>>)
    %dma_wait3A_355 = arith.constant 488 : i32
    %dma_wait3A_356 = tpu.memref_slice %arg5[%dma_wait3A_355] : memref<512xi32, #tpu.memory_space<vmem>> -> memref<8xi32, #tpu.memory_space<vmem>>
    %dma_wait3A_357 = arith.constant 0 : i32
    %dma_wait3A_358 = arith.constant 0 : i32
    %dma_wait3A_359 = tpu.memref_slice %arg2[%dma_wait3A_357, %dma_wait3A_358] : memref<4096x2048xf32, #tpu.memory_space<hbm>> -> memref<4096x2048xf32, #tpu.memory_space<hbm>>
    tpu.wait_indirect_dma semaphore(%arg18 : memref<!tpu.dma_semaphore, #tpu.memory_space<semaphore_mem>>) src(%dma_wait3A_359 : memref<4096x2048xf32, #tpu.memory_space<hbm>>) dst(%arg11 : memref<8x2048xf32, #tpu.memory_space<vmem>>)
    %add3A_360 = arith.constant 488 : i32
    %add3A_361 = arith.addi %mul3A_32, %add3A_360 : i32
    %dma_start3A_362 = arith.constant 0 : i32
    %dma_start3A_363 = tpu.memref_slice %arg4[%select_n3A, %add3A_361, %dma_start3A_362] : memref<4x4096x2048xf32, #tpu.memory_space<hbm>> -> memref<1x8x2048xf32, #tpu.memory_space<hbm>>
    %dma_start3A_364 = tpu.memref_squeeze %dma_start3A_363 : memref<1x8x2048xf32, #tpu.memory_space<hbm>> -> memref<8x2048xf32, #tpu.memory_space<hbm>>
    %dma_start3A_365 = arith.constant 0 : i32
    %dma_start3A_366 = tpu.memref_slice %arg4[%select_n3A, %add3A_361, %dma_start3A_365] : memref<4x4096x2048xf32, #tpu.memory_space<hbm>> -> memref<1x8x2048xf32, #tpu.memory_space<hbm>>
    %dma_start3A_367 = tpu.memref_squeeze %dma_start3A_366 : memref<1x8x2048xf32, #tpu.memory_space<hbm>> -> memref<8x2048xf32, #tpu.memory_space<hbm>>
    tpu.enqueue_dma source(%arg11 : memref<8x2048xf32, #tpu.memory_space<vmem>>) target(%dma_start3A_367 : memref<8x2048xf32, #tpu.memory_space<hbm>>) target_semaphore(%arg25 : memref<!tpu.dma_semaphore, #tpu.memory_space<semaphore_mem>>)
    %add3A_368 = arith.constant 480 : i32
    %add3A_369 = arith.addi %mul3A_32, %add3A_368 : i32
    %dma_wait3A_370 = arith.constant 0 : i32
    %dma_wait3A_371 = tpu.memref_slice %arg4[%select_n3A, %add3A_369, %dma_wait3A_370] : memref<4x4096x2048xf32, #tpu.memory_space<hbm>> -> memref<1x8x2048xf32, #tpu.memory_space<hbm>>
    %dma_wait3A_372 = tpu.memref_squeeze %dma_wait3A_371 : memref<1x8x2048xf32, #tpu.memory_space<hbm>> -> memref<8x2048xf32, #tpu.memory_space<hbm>>
    %dma_wait3A_373 = arith.constant 0 : i32
    %dma_wait3A_374 = tpu.memref_slice %arg4[%select_n3A, %add3A_369, %dma_wait3A_373] : memref<4x4096x2048xf32, #tpu.memory_space<hbm>> -> memref<1x8x2048xf32, #tpu.memory_space<hbm>>
    %dma_wait3A_375 = tpu.memref_squeeze %dma_wait3A_374 : memref<1x8x2048xf32, #tpu.memory_space<hbm>> -> memref<8x2048xf32, #tpu.memory_space<hbm>>
    tpu.wait_dma2 semaphore(%arg24 : memref<!tpu.dma_semaphore, #tpu.memory_space<semaphore_mem>>) src(%arg10 : memref<8x2048xf32, #tpu.memory_space<vmem>>) dst(%dma_wait3A_375 : memref<8x2048xf32, #tpu.memory_space<hbm>>)
    %dma_wait3A_376 = arith.constant 496 : i32
    %dma_wait3A_377 = tpu.memref_slice %arg5[%dma_wait3A_376] : memref<512xi32, #tpu.memory_space<vmem>> -> memref<8xi32, #tpu.memory_space<vmem>>
    %dma_wait3A_378 = arith.constant 0 : i32
    %dma_wait3A_379 = arith.constant 0 : i32
    %dma_wait3A_380 = tpu.memref_slice %arg2[%dma_wait3A_378, %dma_wait3A_379] : memref<4096x2048xf32, #tpu.memory_space<hbm>> -> memref<4096x2048xf32, #tpu.memory_space<hbm>>
    tpu.wait_indirect_dma semaphore(%arg19 : memref<!tpu.dma_semaphore, #tpu.memory_space<semaphore_mem>>) src(%dma_wait3A_380 : memref<4096x2048xf32, #tpu.memory_space<hbm>>) dst(%arg12 : memref<8x2048xf32, #tpu.memory_space<vmem>>)
    %add3A_381 = arith.constant 496 : i32
    %add3A_382 = arith.addi %mul3A_32, %add3A_381 : i32
    %dma_start3A_383 = arith.constant 0 : i32
    %dma_start3A_384 = tpu.memref_slice %arg4[%select_n3A, %add3A_382, %dma_start3A_383] : memref<4x4096x2048xf32, #tpu.memory_space<hbm>> -> memref<1x8x2048xf32, #tpu.memory_space<hbm>>
    %dma_start3A_385 = tpu.memref_squeeze %dma_start3A_384 : memref<1x8x2048xf32, #tpu.memory_space<hbm>> -> memref<8x2048xf32, #tpu.memory_space<hbm>>
    %dma_start3A_386 = arith.constant 0 : i32
    %dma_start3A_387 = tpu.memref_slice %arg4[%select_n3A, %add3A_382, %dma_start3A_386] : memref<4x4096x2048xf32, #tpu.memory_space<hbm>> -> memref<1x8x2048xf32, #tpu.memory_space<hbm>>
    %dma_start3A_388 = tpu.memref_squeeze %dma_start3A_387 : memref<1x8x2048xf32, #tpu.memory_space<hbm>> -> memref<8x2048xf32, #tpu.memory_space<hbm>>
    tpu.enqueue_dma source(%arg12 : memref<8x2048xf32, #tpu.memory_space<vmem>>) target(%dma_start3A_388 : memref<8x2048xf32, #tpu.memory_space<hbm>>) target_semaphore(%arg26 : memref<!tpu.dma_semaphore, #tpu.memory_space<semaphore_mem>>)
    %add3A_389 = arith.constant 488 : i32
    %add3A_390 = arith.addi %mul3A_32, %add3A_389 : i32
    %dma_wait3A_391 = arith.constant 0 : i32
    %dma_wait3A_392 = tpu.memref_slice %arg4[%select_n3A, %add3A_390, %dma_wait3A_391] : memref<4x4096x2048xf32, #tpu.memory_space<hbm>> -> memref<1x8x2048xf32, #tpu.memory_space<hbm>>
    %dma_wait3A_393 = tpu.memref_squeeze %dma_wait3A_392 : memref<1x8x2048xf32, #tpu.memory_space<hbm>> -> memref<8x2048xf32, #tpu.memory_space<hbm>>
    %dma_wait3A_394 = arith.constant 0 : i32
    %dma_wait3A_395 = tpu.memref_slice %arg4[%select_n3A, %add3A_390, %dma_wait3A_394] : memref<4x4096x2048xf32, #tpu.memory_space<hbm>> -> memref<1x8x2048xf32, #tpu.memory_space<hbm>>
    %dma_wait3A_396 = tpu.memref_squeeze %dma_wait3A_395 : memref<1x8x2048xf32, #tpu.memory_space<hbm>> -> memref<8x2048xf32, #tpu.memory_space<hbm>>
    tpu.wait_dma2 semaphore(%arg25 : memref<!tpu.dma_semaphore, #tpu.memory_space<semaphore_mem>>) src(%arg11 : memref<8x2048xf32, #tpu.memory_space<vmem>>) dst(%dma_wait3A_396 : memref<8x2048xf32, #tpu.memory_space<hbm>>)
    %dma_wait3A_397 = arith.constant 504 : i32
    %dma_wait3A_398 = tpu.memref_slice %arg5[%dma_wait3A_397] : memref<512xi32, #tpu.memory_space<vmem>> -> memref<8xi32, #tpu.memory_space<vmem>>
    %dma_wait3A_399 = arith.constant 0 : i32
    %dma_wait3A_400 = arith.constant 0 : i32
    %dma_wait3A_401 = tpu.memref_slice %arg2[%dma_wait3A_399, %dma_wait3A_400] : memref<4096x2048xf32, #tpu.memory_space<hbm>> -> memref<4096x2048xf32, #tpu.memory_space<hbm>>
    tpu.wait_indirect_dma semaphore(%arg13 : memref<!tpu.dma_semaphore, #tpu.memory_space<semaphore_mem>>) src(%dma_wait3A_401 : memref<4096x2048xf32, #tpu.memory_space<hbm>>) dst(%arg6 : memref<8x2048xf32, #tpu.memory_space<vmem>>)
    %add3A_402 = arith.constant 504 : i32
    %add3A_403 = arith.addi %mul3A_32, %add3A_402 : i32
    %dma_start3A_404 = arith.constant 0 : i32
    %dma_start3A_405 = tpu.memref_slice %arg4[%select_n3A, %add3A_403, %dma_start3A_404] : memref<4x4096x2048xf32, #tpu.memory_space<hbm>> -> memref<1x8x2048xf32, #tpu.memory_space<hbm>>
    %dma_start3A_406 = tpu.memref_squeeze %dma_start3A_405 : memref<1x8x2048xf32, #tpu.memory_space<hbm>> -> memref<8x2048xf32, #tpu.memory_space<hbm>>
    %dma_start3A_407 = arith.constant 0 : i32
    %dma_start3A_408 = tpu.memref_slice %arg4[%select_n3A, %add3A_403, %dma_start3A_407] : memref<4x4096x2048xf32, #tpu.memory_space<hbm>> -> memref<1x8x2048xf32, #tpu.memory_space<hbm>>
    %dma_start3A_409 = tpu.memref_squeeze %dma_start3A_408 : memref<1x8x2048xf32, #tpu.memory_space<hbm>> -> memref<8x2048xf32, #tpu.memory_space<hbm>>
    tpu.enqueue_dma source(%arg6 : memref<8x2048xf32, #tpu.memory_space<vmem>>) target(%dma_start3A_409 : memref<8x2048xf32, #tpu.memory_space<hbm>>) target_semaphore(%arg20 : memref<!tpu.dma_semaphore, #tpu.memory_space<semaphore_mem>>)
    %add3A_410 = arith.constant 496 : i32
    %add3A_411 = arith.addi %mul3A_32, %add3A_410 : i32
    %dma_wait3A_412 = arith.constant 0 : i32
    %dma_wait3A_413 = tpu.memref_slice %arg4[%select_n3A, %add3A_411, %dma_wait3A_412] : memref<4x4096x2048xf32, #tpu.memory_space<hbm>> -> memref<1x8x2048xf32, #tpu.memory_space<hbm>>
    %dma_wait3A_414 = tpu.memref_squeeze %dma_wait3A_413 : memref<1x8x2048xf32, #tpu.memory_space<hbm>> -> memref<8x2048xf32, #tpu.memory_space<hbm>>
    %dma_wait3A_415 = arith.constant 0 : i32
    %dma_wait3A_416 = tpu.memref_slice %arg4[%select_n3A, %add3A_411, %dma_wait3A_415] : memref<4x4096x2048xf32, #tpu.memory_space<hbm>> -> memref<1x8x2048xf32, #tpu.memory_space<hbm>>
    %dma_wait3A_417 = tpu.memref_squeeze %dma_wait3A_416 : memref<1x8x2048xf32, #tpu.memory_space<hbm>> -> memref<8x2048xf32, #tpu.memory_space<hbm>>
    tpu.wait_dma2 semaphore(%arg26 : memref<!tpu.dma_semaphore, #tpu.memory_space<semaphore_mem>>) src(%arg12 : memref<8x2048xf32, #tpu.memory_space<vmem>>) dst(%dma_wait3A_417 : memref<8x2048xf32, #tpu.memory_space<hbm>>)
    %add3A_418 = arith.constant 504 : i32
    %add3A_419 = arith.addi %mul3A_32, %add3A_418 : i32
    %dma_wait3A_420 = arith.constant 0 : i32
    %dma_wait3A_421 = tpu.memref_slice %arg4[%select_n3A, %add3A_419, %dma_wait3A_420] : memref<4x4096x2048xf32, #tpu.memory_space<hbm>> -> memref<1x8x2048xf32, #tpu.memory_space<hbm>>
    %dma_wait3A_422 = tpu.memref_squeeze %dma_wait3A_421 : memref<1x8x2048xf32, #tpu.memory_space<hbm>> -> memref<8x2048xf32, #tpu.memory_space<hbm>>
    %dma_wait3A_423 = arith.constant 0 : i32
    %dma_wait3A_424 = tpu.memref_slice %arg4[%select_n3A, %add3A_419, %dma_wait3A_423] : memref<4x4096x2048xf32, #tpu.memory_space<hbm>> -> memref<1x8x2048xf32, #tpu.memory_space<hbm>>
    %dma_wait3A_425 = tpu.memref_squeeze %dma_wait3A_424 : memref<1x8x2048xf32, #tpu.memory_space<hbm>> -> memref<8x2048xf32, #tpu.memory_space<hbm>>
    tpu.wait_dma2 semaphore(%arg20 : memref<!tpu.dma_semaphore, #tpu.memory_space<semaphore_mem>>) src(%arg6 : memref<8x2048xf32, #tpu.memory_space<vmem>>) dst(%dma_wait3A_425 : memref<8x2048xf32, #tpu.memory_space<hbm>>)
    return
  }
}

module attributes {stable_mosaic.version = 14 : i64} {
  func.func @_combine_body(%arg0: i32, %arg1: memref<512x1xi32, #tpu.memory_space<vmem>>, %arg2: memref<512x2048xf32, #tpu.memory_space<vmem>>, %arg3: memref<512x2048xf32, #tpu.memory_space<vmem>>, %arg4: memref<512x2048xf32, #tpu.memory_space<vmem>>) attributes {dimension_semantics = [#tpu.dimension_semantics<arbitrary>], iteration_bounds = array<i64: 8>, scalar_prefetch = 0 : i64, scratch_operands = 0 : i64, tpu.core_type = #tpu.core_type<tc>, window_params = [{transform_indices = @transform_0, window_bounds = array<i64: 512, 1>}, {transform_indices = @transform_1, window_bounds = array<i64: 512, 2048>}, {transform_indices = @transform_2, window_bounds = array<i64: 512, 2048>}, {transform_indices = @transform_3, window_bounds = array<i64: 512, 2048>}]} {
    %get3A = arith.constant 0 : index
    %get3A_0 = arith.constant 0 : index
    %get3A_1 = vector.load %arg3[%get3A, %get3A_0] : memref<512x2048xf32, #tpu.memory_space<vmem>>, vector<512x2048xf32>
    %mul3A = arith.mulf %get3A_1, %get3A_1 : vector<512x2048xf32>
    %reduce_sum3A = arith.constant dense<0.000000e+00> : vector<512xf32>
    %reduce_sum3A_2 = vector.multi_reduction <add>, %mul3A, %reduce_sum3A [1] : vector<512x2048xf32> to vector<512xf32>
    %broadcast_in_dim3A = vector.shape_cast %reduce_sum3A_2 : vector<512xf32> to vector<512x1xf32>
    %sqrt3A = math.sqrt %broadcast_in_dim3A : vector<512x1xf32>
    %get3A_3 = arith.constant 0 : index
    %get3A_4 = arith.constant 0 : index
    %get3A_5 = vector.load %arg1[%get3A_3, %get3A_4] : memref<512x1xi32, #tpu.memory_space<vmem>>, vector<512x1xi32>
    %broadcast_in_dim3A_6 = arith.constant 1.000000e-10 : f32
    %broadcast_in_dim3A_7 = vector.broadcast %broadcast_in_dim3A_6 : f32 to vector<512x1xf32>
    %gt3A = arith.constant 0 : i32
    %gt3A_8 = vector.broadcast %gt3A : i32 to vector<512x1xi32>
    %gt3A_9 = arith.cmpi sgt, %get3A_5, %gt3A_8 : vector<512x1xi32>
    %jit3A = arith.constant 4 : i32
    %eq3A = arith.constant 0 : i32
    %eq3A_10 = arith.cmpi eq, %jit3A, %eq3A : i32
    %jit3A_11 = arith.constant 1 : i32
    %select_n3A = arith.select %eq3A_10, %jit3A_11, %jit3A : i32
    %rem3A = vector.broadcast %select_n3A : i32 to vector<512x1xi32>
    %rem3A_12 = arith.remsi %get3A_5, %rem3A : vector<512x1xi32>
    %ne3A = arith.constant 0 : i32
    %ne3A_13 = vector.broadcast %ne3A : i32 to vector<512x1xi32>
    %ne3A_14 = arith.cmpi ne, %rem3A_12, %ne3A_13 : vector<512x1xi32>
    %lt3A = arith.constant 0 : i32
    %lt3A_15 = vector.broadcast %lt3A : i32 to vector<512x1xi32>
    %lt3A_16 = arith.cmpi slt, %rem3A_12, %lt3A_15 : vector<512x1xi32>
    %lt3A_17 = arith.constant 0 : i32
    %lt3A_18 = arith.cmpi slt, %select_n3A, %lt3A_17 : i32
    %ne3A_19 = vector.broadcast %lt3A_18 : i1 to vector<512x1xi1>
    %ne3A_20 = vector.broadcast %ne3A_19 : vector<512x1xi1> to vector<512x1xi1>
    %ne3A_21 = arith.xori %lt3A_16, %ne3A_20 : vector<512x1xi1>
    %and3A = arith.andi %ne3A_21, %ne3A_14 : vector<512x1xi1>
    %add3A = vector.broadcast %select_n3A : i32 to vector<512x1xi32>
    %add3A_22 = arith.addi %rem3A_12, %add3A : vector<512x1xi32>
    %select_n3A_23 = arith.select %and3A, %add3A_22, %rem3A_12 : vector<512x1xi1>, vector<512x1xi32>
    %eq3A_24 = arith.constant 1 : i32
    %eq3A_25 = vector.broadcast %eq3A_24 : i32 to vector<512x1xi32>
    %eq3A_26 = arith.cmpi eq, %select_n3A_23, %eq3A_25 : vector<512x1xi32>
    %and3A_27 = arith.andi %gt3A_9, %eq3A_26 : vector<512x1xi1>
    %jit3A_28 = arith.constant 1.000000e-01 : f32
    %broadcast_in_dim3A_29 = vector.broadcast %jit3A_28 : f32 to vector<512x1xf32>
    %select_n3A_30 = arith.select %and3A_27, %broadcast_in_dim3A_29, %broadcast_in_dim3A_7 : vector<512x1xi1>, vector<512x1xf32>
    %eq3A_31 = arith.constant 3 : i32
    %eq3A_32 = vector.broadcast %eq3A_31 : i32 to vector<512x1xi32>
    %eq3A_33 = arith.cmpi eq, %select_n3A_23, %eq3A_32 : vector<512x1xi32>
    %and3A_34 = arith.andi %gt3A_9, %eq3A_33 : vector<512x1xi1>
    %jit3A_35 = arith.constant 1.000000e-01 : f32
    %broadcast_in_dim3A_36 = vector.broadcast %jit3A_35 : f32 to vector<512x1xf32>
    %select_n3A_37 = arith.select %and3A_34, %broadcast_in_dim3A_36, %select_n3A_30 : vector<512x1xi1>, vector<512x1xf32>
    %eq3A_38 = arith.constant 2 : i32
    %eq3A_39 = vector.broadcast %eq3A_38 : i32 to vector<512x1xi32>
    %eq3A_40 = arith.cmpi eq, %select_n3A_23, %eq3A_39 : vector<512x1xi32>
    %and3A_41 = arith.andi %gt3A_9, %eq3A_40 : vector<512x1xi1>
    %jit3A_42 = arith.constant 1.000000e-01 : f32
    %broadcast_in_dim3A_43 = vector.broadcast %jit3A_42 : f32 to vector<512x1xf32>
    %select_n3A_44 = arith.select %and3A_41, %broadcast_in_dim3A_43, %select_n3A_37 : vector<512x1xi1>, vector<512x1xf32>
    %max3A = arith.maximumf %sqrt3A, %select_n3A_44 : vector<512x1xf32>
    %div3A = arith.divf %select_n3A_44, %max3A : vector<512x1xf32>
    %get3A_45 = arith.constant 0 : index
    %get3A_46 = arith.constant 0 : index
    %get3A_47 = vector.load %arg2[%get3A_45, %get3A_46] : memref<512x2048xf32, #tpu.memory_space<vmem>>, vector<512x2048xf32>
    %mul3A_48 = vector.broadcast %div3A : vector<512x1xf32> to vector<512x2048xf32>
    %mul3A_49 = arith.mulf %get3A_1, %mul3A_48 : vector<512x2048xf32>
    %add3A_50 = arith.addf %get3A_47, %mul3A_49 : vector<512x2048xf32>
    %swap3A = arith.constant 0 : index
    %swap3A_51 = arith.constant 0 : index
    %swap3A_52 = vector.load %arg4[%swap3A, %swap3A_51] : memref<512x2048xf32, #tpu.memory_space<vmem>>, vector<512x2048xf32>
    tpu.vector_store %arg4[%swap3A, %swap3A_51], %add3A_50 {strides = array<i32>} : memref<512x2048xf32, #tpu.memory_space<vmem>>, vector<512x2048xf32>,
    return
  }
  func.func @transform_0(%arg0: i32) -> (i32, i32) {
    %c0_i32 = arith.constant 0 : i32
    %c0_i32_0 = arith.constant 0 : i32
    return %arg0, %c0_i32 : i32, i32
  }
  func.func @transform_1(%arg0: i32) -> (i32, i32) {
    %c0_i32 = arith.constant 0 : i32
    %c0_i32_0 = arith.constant 0 : i32
    return %arg0, %c0_i32 : i32, i32
  }
  func.func @transform_2(%arg0: i32) -> (i32, i32) {
    %c0_i32 = arith.constant 0 : i32
    %c0_i32_0 = arith.constant 0 : i32
    return %arg0, %c0_i32 : i32, i32
  }
  func.func @transform_3(%arg0: i32) -> (i32, i32) {
    %c0_i32 = arith.constant 0 : i32
    %c0_i32_0 = arith.constant 0 : i32
    return %arg0, %c0_i32 : i32, i32
  }
}

</mosaic_0001>

<sc_bundles>
// kernel: kernel.4.cloned.1.call-start
scs
__scs_entry_jumppad:
0x0: {  	(pc) =	sbr.rel $0x88, $3  }
0x1: {  	(tag) =	ssettag $0x0;
	lr =	simm.s32 $0x1  }
0x2: {  	[smem:$0x3F9D] =	sst lr;
	_ =	strace $0xD0000000  }
0x3: {  	_ = 	snop  }
0x4: {  	_ = 	snop  }
0x5: {  	_ = 	snop  }
0x6: {  	_ = 	snop  }
0x7: {  	_ = 	snop  }
__scs_overlays_trampoline_lowered:
0x8: {  	[smem:$0x3FAC] =	sst s0  }
0x9: {  	[smem:$0x3FAD] =	sst s1  }
0xa: {  	[smem:$0x3FAE] =	sst s2  }
0xb: {  	[smem:$0x3FAF] =	sst s3  }
0xc: {  	[smem:$0x3FB0] =	sst s4  }
0xd: {  	[smem:$0x3FB1] =	sst s5  }
0xe: {  	[smem:$0x3FB2] =	sst s6  }
0xf: {  	[smem:$0x3FB3] =	sst s7  }
0x10: {  	[smem:$0x3FB4] =	sst s8  }
0x11: {  	[smem:$0x3FB5] =	sst s9;
	s0 =	simm.s32 @!p0 $0x0  }
0x12: {  	s1 =	sld [smem:$0x3F9B];
	s0 =	simm.s32 @p0 $0x1  }
0x13: {  	[smem:$0x3FB6] =	sst s0;
	s0 =	simm.s32 @!p1 $0x0  }
0x14: {  	s2 =	sld [smem:$0x3F9A];
	s0 =	simm.s32 @p1 $0x1  }
0x15: {  	[smem:$0x3FB7] =	sst s0;
	s0 =	simm.s32 @!p2 $0x0  }
0x16: {  	s3 =	sld [smem:$0x3FDB];
	s0 =	simm.s32 @p2 $0x1  }
0x17: {  	s4 =	simm.s32 $0x1BF5;
	[smem:$0x3FB9] =	sst s0  }
0x18: {  	s0 =	sld [smem:$0x3F9C];
	_ =	swait.ge [sflag:s4], $0x0  }
0x19: {  	s7 =	sld [smem:$0x3F9D]  }
0x1a: {  	s8 =	sadd.s32 $0xFFFFE003, lr  }
0x1b: {  	s9 =	sadd.s32 $0xFFFFFEF7, lr;
	s5 =	simm.s32 $0xFFFFFFFF;
	p2 =	slt.u32 s8, $0xFFFFF086  }
0x1c: {  	p1 =	slt.u32 s9, $0xF7A;
	s5 =	simm.s32 @!p2 $0x0  }
0x1d: {  	s5 =	simm.s32 @p1 $0x1;
	p0 =	seq.s32 s7, s2  }
0x1e: {  	s7 =	smul.u32 @!p0 $0xF7A, s2;
	p2 =	seq.s32 @!p0 s5, $0x0  }
0x1f: {  	s9 =	smul.u32 $0xF7A, s1;
	s8 =	simm.s32 @!p0 $0x1BF5;
	p2 =	por !p2, p0  }
0x20: {  	[sflag:s8] =	ssyncset.s32 @!p0 $0xFFFFF086;
	s6 =	sadd.s32 @!p0 s3, s7;
	s7 =	simm.s32 @!p0 $0x108  }
0x21: {  	s3 =	sadd.s32 s3, s9;
	s6 =	sadd.s32 @!p0 $0x88, s6;
	s7 =	simm.s32 @p2 $0x1082  }
0x22: {  	[simem:s7], [sflag:s8] =	dma.local @!p0 [hbm:s6], $0xF7A  }
0x23: {  	s9 =	sor.u32 $0xD0000000, s2;
	s6 =	simm.s32 $0x108;
	_ =	swait.ge @!p0 [sflag:s8], $0x0  }
0x24: {  	s3 =	sadd.s32 $0x88, s3;
	s6 =	simm.s32 @!p1 $0x1082;
	[sflag:s4] =	ssyncset.s32 $0xFFFFF086  }
0x25: {  	[simem:s6], [sflag:s4] =	dma.local [hbm:s3], $0xF7A  }
0x26: {  	[smem:$0x3F9D] =	sst s1;
	(tag) =	ssettag s2;
	_ =	strace s9  }
0x27: {  	s1 =	sld [smem:$0x3FAD]  }
0x28: {  	s2 =	sld [smem:$0x3FAE]  }
0x29: {  	s4 =	sld [smem:$0x3FB0]  }
0x2a: {  	p0 =	seq.s32 s5, $0x0;
	s5 =	sld [smem:$0x3FB1]  }
0x2b: {  	s6 =	sld [smem:$0x3FB2]  }
0x2c: {  	s7 =	sld [smem:$0x3FB3]  }
0x2d: {  	s3 =	simm.s32 $0x108;
	s8 =	sld [smem:$0x3FB4]  }
0x2e: {  	s3 =	simm.s32 @!p0 $0x1082;
	s9 =	sld [smem:$0x3FB5]  }
0x2f: {  	lr =	sadd.s32 s0, s3;
	s0 =	sld [smem:$0x3FAC]  }
0x30: {  	s3 =	sld [smem:$0x3FAF]  }
0x31: {  	[smem:$0x3FB8] =	sst s10  }
0x32: {  	s10 =	sld [smem:$0x3FB6];
	_ =	sdelay $0x3  }
0x33: {  	p0 =	seq.s32 s10, $0x1;
	s10 =	sld [smem:$0x3FB8];
	_ =	sdelay $0x3  }
0x34: {  	[smem:$0x3FB8] =	sst s10  }
0x35: {  	s10 =	sld [smem:$0x3FB7];
	_ =	sdelay $0x3  }
0x36: {  	p1 =	seq.s32 s10, $0x1;
	s10 =	sld [smem:$0x3FB8];
	_ =	sdelay $0x3  }
0x37: {  	[smem:$0x3FB8] =	sst s10  }
0x38: {  	s10 =	sld [smem:$0x3FB9]  }
0x39: {  	_ = 	snop;
	(pc) =	sbr.ind lr, $3  }
0x3a: {  	_ = 	snop  }
0x3b: {  	_ = 	snop  }
0x3c: {  	p2 =	seq.s32 s10, $0x1;
	s10 =	sld [smem:$0x3FB8]  }
0x3d: {  	_ =	shalt  }
0x3e: {  	_ =	shalt  }
0x3f: {  	_ =	shalt  }
0x40: {  	_ =	shalt  }
0x41: {  	_ =	shalt  }
0x42: {  	_ =	shalt  }
0x43: {  	_ =	shalt  }
0x44: {  	_ =	shalt  }
0x45: {  	_ =	shalt  }
0x46: {  	_ =	shalt  }
0x47: {  	_ =	shalt  }
0x48: {  	_ =	shalt  }
0x49: {  	_ =	shalt  }
0x4a: {  	_ =	shalt  }
0x4b: {  	_ =	shalt  }
0x4c: {  	_ =	shalt  }
0x4d: {  	_ =	shalt  }
0x4e: {  	_ =	shalt  }
0x4f: {  	_ =	shalt  }
0x50: {  	_ =	shalt  }
0x51: {  	_ =	shalt  }
0x52: {  	_ =	shalt  }
0x53: {  	_ =	shalt  }
0x54: {  	_ =	shalt  }
0x55: {  	_ =	shalt  }
0x56: {  	_ =	shalt  }
0x57: {  	_ =	shalt  }
0x58: {  	_ =	shalt  }
0x59: {  	_ =	shalt  }
0x5a: {  	_ =	shalt  }
0x5b: {  	_ =	shalt  }
0x5c: {  	_ =	shalt  }
0x5d: {  	_ =	shalt  }
0x5e: {  	_ =	shalt  }
0x5f: {  	_ =	shalt  }
0x60: {  	_ =	shalt  }
0x61: {  	_ =	shalt  }
0x62: {  	_ =	shalt  }
0x63: {  	_ =	shalt  }
0x64: {  	_ =	shalt  }
0x65: {  	_ =	shalt  }
0x66: {  	_ =	shalt  }
0x67: {  	_ =	shalt  }
0x68: {  	_ =	shalt  }
0x69: {  	_ =	shalt  }
0x6a: {  	_ =	shalt  }
0x6b: {  	_ =	shalt  }
0x6c: {  	_ =	shalt  }
0x6d: {  	_ =	shalt  }
0x6e: {  	_ =	shalt  }
0x6f: {  	_ =	shalt  }
0x70: {  	_ =	shalt  }
0x71: {  	_ =	shalt  }
0x72: {  	_ =	shalt  }
0x73: {  	_ =	shalt  }
0x74: {  	_ =	shalt  }
0x75: {  	_ =	shalt  }
0x76: {  	_ =	shalt  }
0x77: {  	_ =	shalt  }
0x78: {  	_ =	shalt  }
0x79: {  	_ =	shalt  }
0x7a: {  	_ =	shalt  }
0x7b: {  	_ =	shalt  }
0x7c: {  	_ =	shalt  }
0x7d: {  	_ =	shalt  }
0x7e: {  	_ =	shalt  }
0x7f: {  	_ =	shalt  }
0x80: {  	_ =	shalt  }
0x81: {  	_ =	shalt  }
0x82: {  	_ =	shalt  }
0x83: {  	_ =	shalt  }
0x84: {  	_ =	shalt  }
0x85: {  	_ =	shalt  }
0x86: {  	_ =	shalt  }
0x87: {  	_ =	shalt  }
.Lfunc_end0:
.L_simem_size_0:
called_computation_lowered:
.L_overlay_start_0:
0x88: {  	s2 =	sld [smem:$0x3FD9]  }
0x89: {  	s3 =	sld [smem:$0x3FFE];
	_ =	sdelay $0x1  }
0x8a: {  	s1 =	srdreg.scid  }
0x8b: {  	s0 =	sand.u32 $0x1, s1  }
0x8c: {  	s17 =	sshll.u32 s0, $0xA;
	s2 =	sadd.s32 s3, s2  }
0x8d: {  	s2 =	sadd.s32 s2, s17  }
0x8e: {  	[smem:$0x3FC4] =	sst s2  }
0x8f: {  	_ = 	snop  }
0x90: {  	s2 =	sld [smem:$0x3FC9]  }
0x91: {  	s18 =	sld [smem:$0x3FD0];
	(tm) =	ssettm $0x1  }
0x92: {  	s4 =	sld [smem:$0x3FFB];
	_ =	sdelay $0x3  }
0x93: {  	_ =	strace s4  }
0x94: {  	s4 =	sld [smem:$0x3FFC];
	_ =	sdelay $0x3  }
0x95: {  	_ =	strace s4  }
0x96: {  	s4 =	sld [smem:$0x3FFD];
	_ =	sdelay $0x3  }
0x97: {  	_ =	strace s4  }
0x98: {  	_ =	strace $0x8FFFFFFF  }
0x99: {  	s19 =	sld [smem:$0x3FDB];
	_ =	sdelay $0x1  }
0x9a: {  	s5 =	simm.s32 $_scs_section_size  }
0x9b: {  	s6 =	simm.s32 $_size__tile_overlayer_lowered;
	s7 =	simm.s32 $_tile_overlayer_lowered  }
0x9c: {  	s22 =	simm.s32 $0x1BFF;
	s21 =	sshll.u32 s7, $0x1;
	s4 =	sadd.s32 s5, s19  }
0x9d: {  	s8 =	simm.s32 $0x0;
	s20 =	sshll.u32 s6, $0x1;
	s6 =	sadd.s32 s21, s4  }
0x9e: {  	[timem:s8], [sflag:s22] =	dma.local [hbm:s6], s20  }
0x9f: {  	_ =	swait.ge [sflag:s22], s20  }
0xa0: {  	s5 =	ssub.s32 $0x0, s20;
	[sflag:s22] =	ssyncset.done $0x0  }
0xa1: {  	[sflag:s22] =	ssyncadd.s32 s5;
	_ =	sdelay $0x1  }
0xa2: {  	s23 =	simm.s32 $0x1B8B  }
0xa3: {  	_ =	swait.ge [sflag:s23], $0x1  }
0xa4: {  	[sflag:s23] =	ssyncset.done $0x0  }
0xa5: {  	s25 =	simm.s32 $0x1B8E;
	s24 =	sld [smem:$0x3FFE];
	[sflag:s23] =	ssyncadd.s32 $0xFFFFFFFF  }
0xa6: {  	s26 =	simm.s32 $execute0_lowered;
	[smem:$0x3FD2] =	sst s25  }
0xa7: {  	s6 =	sshll.u32 s26, $0x1;
	_ =	strace $0x80000046;
	[dreg:$0x1] =	wrdreg $0xFFFFFFFF  }
0xa8: {  	s28 =	simm.s32 $_size_execute0_lowered;
	s4 =	sadd.s32 s4, s6;
	[dreg:$0x0] =	wrdreg $0x0  }
0xa9: {  	s6 =	sshll.u32 s28, $0x1;
	[dreg:$0x2] =	wrdreg s4  }
0xaa: {  	[dreg:$0x3] =	wrdreg s6  }
0xab: {  	[dreg:$0x4] =	wrdreg $0xC0  }
0xac: {  	_ =	task [dreg:s8], $0x5FFFF  }
0xad: {  	[dreg:$0x1] =	wrdreg $0xFFFFFFFF  }
0xae: {  	[dreg:$0x0] =	wrdreg $0x60  }
0xaf: {  	[dreg:$0x2] =	wrdreg s24  }
0xb0: {  	[dreg:$0x3] =	wrdreg s2  }
0xb1: {  	[dreg:$0x4] =	wrdreg s18  }
0xb2: {  	[dreg:$0x5] =	wrdreg $0x9  }
0xb3: {  	_ =	task.clear_ibuf [dreg:s8], $0x6FFFF;
	_ =	strace $0x90000046  }
0xb4: {  	s29 =	simm.s32 $0x9;
	_ =	strace $0x80000048  }
0xb5: {  	_ =	swait.ge [sflag:s29], $0x1  }
0xb6: {  	[sflag:s29] =	ssyncadd.s32 $0xFFFFFFFF  }
0xb7: {  	_ =	strace $0x90000048  }
0xb8: {  	_ =	sfence  }
0xb9: {  	s30 =	sld [smem:$0x0];
	_ =	sdelay $0x2  }
0xba: {  	s31 =	sshll.u32 s1, $0xD;
	s1 =	sshrl.u32 s1, $0x2  }
0xbb: {  	s3 =	sand.u32 $0x4000, s31;
	s1 =	sadd.s32 s1, s30  }
0xbc: {  	s0 =	sor.u32 s3, s0;
	s1 =	sshll.u32 s1, $0x11  }
0xbd: {  	s0 =	sor.u32 s1, s0  }
0xbe: {  	s0 =	sadd.s32 $0x8F2B, s0  }
0xbf: {  	[sflag:s0] =	ssyncadd.remote.s32 $0x1  }
0xc0: {  	_ =	sfence.sel $0xFFFF  }
0xc1: {  	[dreg:$0x0] =	wrdreg $0xFFFFFFFF;
	(pc) =	sbr.abs _section_cstart, $3  }
0xc2: {  	[dreg:$0x1] =	wrdreg $0xFFFFFFFF  }
0xc3: {  	_ =	task.clear_ibuf [dreg:s8], $0x2FFFF;
	_ =	strace $0x9FFFFFFF  }
0xc4: {  	(tm) =	ssettm $0x7FFFFFFF  }
0xc5: {  	_ =	shalt  }
tec
execute0_lowered:
.L_overlay_start_1:
0x0: {  	(tag) =	ssettag $0x1  }
0x1: {  	s1 =	rddreg [dreg:$0x0]  }
0x2: {  	s4 =	rddreg [dreg:$0x1]  }
0x3: {  	s0 =	rddreg [dreg:$0x2];
	s2 =	simm.s32 $0x0  }
0x4: {  	s15 =	stileid.u32;
	s5 =	srdreg.scid;
	s28 =	simm.s32 $0x8A00  }
0x5: {  	s29 =	simm.s32 $0xC;
	s31 =	simm.s32 $0x7;
	[smem:$0x7FF] =	sst s2  }
0x6: {  	s3 =	sadd.s32 $0x400, s1;
	s6 =	sshll.u32 s15, $0x1;
	s12 =	sand.u32 $0x1, s5  }
0x7: {  	s10 =	sshrl.u32 s15, $0x2;
	s5 =	sadd.s32 $0x500, s1;
	s9 =	sadd.s32 $0x900, s1  }
0x8: {  	s15 =	sand.u32 $0x3, s15;
	_ =	strace $0x80000047;
	s19 =	sand.u32 $0x6, s6  }
0x9: {  	s20 =	ssub.s32 $0x2, s12;
	s21 =	sshll.u32 s10, $0x4;
	s6 =	sadd.s32 $0x600, s1  }
0xa: {  	s22 =	sshll.u32 s10, $0x17;
	s10 =	sadd.s32 $0xA00, s1;
	s24 =	sshll.u32 s15, $0x15  }
0xb: {  	s26 =	sshll.u32 s12, $0x14;
	s11 =	sor.u32 s12, s19;
	s7 =	sshrl.u32 s20, $0x1  }
0xc: {  	s4 =	sadd.s32 s4, s21;
	s8 =	sshll.u32 s11, $0x8;
	s11 =	sshll.u32 s11, $0x14  }
0xd: {  	s25 =	sor.u32 s24, s22;
	s13 =	ssub.s32 s20, s7;
	s14 =	sor.u32 s22, s11  }
0xe: {  	s7 =	sadd.s32 $0x700, s1;
	s4 =	sadd.s32 s8, s4;
	s23 =	sshrl.u32 s14, $0x3  }
0xf: {  	s8 =	sadd.s32 $0x800, s1;
	[dreg:$0xb] =	wrdreg s4;
	s15 =	sadd.s32 s0, s23  }
0x10: {  	s11 =	sadd.s32 $0xB00, s1;
	s30 =	sadd.s32 $0x800, s15;
	[dreg:$0xc] =	wrdreg s15  }
0x11: {  	s1 =	sor.u32 s26, s25;
	s14 =	sadd.s32 $0x1000, s15;
	[dreg:$0xd] =	wrdreg s30  }
0x12: {  	s18 =	sor.u32 $0x30000, s1;
	s16 =	sadd.s32 $0x1800, s15;
	[dreg:$0xe] =	wrdreg s14  }
0x13: {  	s22 =	sor.u32 $0x34000, s1;
	s17 =	sadd.s32 $0x2000, s15;
	[dreg:$0xf] =	wrdreg s16  }
0x14: {  	s24 =	sor.u32 $0x1C000, s1;
	s19 =	sadd.s32 $0x2800, s15;
	[dreg:$0x10] =	wrdreg s17  }
0x15: {  	s25 =	sor.u32 $0x20000, s1;
	s20 =	sadd.s32 $0x3000, s15;
	[dreg:$0x11] =	wrdreg s19  }
0x16: {  	s4 =	sshrl.u32 s18, $0x3;
	s21 =	sadd.s32 $0x1C000, s15;
	[dreg:$0x12] =	wrdreg s20  }
0x17: {  	s12 =	sshrl.u32 s24, $0x3;
	s4 =	sadd.s32 s4, s0;
	[dreg:$0x13] =	wrdreg s21  }
0x18: {  	s23 =	sshrl.u32 s22, $0x3;
	s26 =	sadd.s32 s12, s0;
	[dreg:$0x4] =	wrdreg s4  }
0x19: {  	s18 =	sor.u32 $0x28000, s1;
	s22 =	sadd.s32 $0x1D800, s15;
	[dreg:$0x6] =	wrdreg s26  }
0x1a: {  	s12 =	sshrl.u32 s18, $0x3;
	s24 =	sadd.s32 $0x1E800, s15;
	[dreg:$0x16] =	wrdreg s22  }
0x1b: {  	s18 =	simm.s32 $0xD200;
	s4 =	sadd.s32 s23, s0;
	[dreg:$0x18] =	wrdreg s24  }
0x1c: {  	s30 =	sshrl.u32 s25, $0x3;
	s19 =	sadd.s32 $0x1C800, s15;
	[dreg:$0x5] =	wrdreg s4  }
0x1d: {  	s16 =	sor.u32 $0x2C000, s1;
	s21 =	sadd.s32 $0x1D000, s15;
	[dreg:$0x14] =	wrdreg s19  }
0x1e: {  	s20 =	sadd.s32 s12, s0;
	s1 =	sor.u32 $0x24000, s1;
	[dreg:$0x15] =	wrdreg s21  }
0x1f: {  	s23 =	sadd.s32 $0x1E000, s15;
	s25 =	smax.u32 s13, $0x1;
	[dreg:$0x9] =	wrdreg s20  }
0x20: {  	s26 =	sadd.s32 $0x1F000, s15;
	s22 =	simm.s32 $0x4;
	[dreg:$0x17] =	wrdreg s23  }
0x21: {  	s12 =	simm.s32 $0x6;
	s14 =	sadd.s32 s30, s0;
	[dreg:$0x19] =	wrdreg s25  }
0x22: {  	s17 =	sshrl.u32 s16, $0x3;
	s1 =	sshrl.u32 s1, $0x3;
	[dreg:$0x1a] =	wrdreg s26  }
0x23: {  	s30 =	sadd.s32 $0x1F800, s15;
	s20 =	simm.s32 $0x10A00;
	s26 =	simm.s32 $0x1  }
0x24: {  	s15 =	simm.s32 $0x8;
	s23 =	simm.s32 $0xA;
	s25 =	simm.s32 $0x5  }
0x25: {  	s16 =	simm.s32 $0x0;
	[dreg:$0x7] =	wrdreg s14;
	s4 =	sadd.s32 s17, s0  }
0x26: {  	v0 =	vlaneseq.u32;
	s0 =	sadd.s32 s1, s0;
	[dreg:$0x1b] =	wrdreg s30;
	s14 =	simm.s32 $0x11200  }
0x27: {  	v1 =	vshrl.u32 v0, $0x3;
	s1 =	simm.s32 $0xB;
	s17 =	simm.s32 $0xE;
	[dreg:$0x8] =	wrdreg s4  }
0x28: {  	vm0 =	vmmov $0xffff;
	v0 =	vand.u32 $0x7, v0;
	v1 =	vmul.u32 $0x8, v1;
	[dreg:$0xa] =	wrdreg s0;
	s0 =	simm.s32 $0xCA00;
	s4 =	simm.s32 $0xD  }
.LBB2_1:
0x29: {  	[dreg:$0x1c] =	wrdreg s16  }
0x2a: {  	s13 =	rddreg [dreg:$0xb]  }
0x2b: {  	s24 =	simm.s32 $0x80;
	s30 =	simm.s32 $0x200;
	s16 =	simm.s32 $0xF  }
0x2c: {  	[tilespmem:s2], [sflag:$0xF] =	stream.strided.gather [hbm4b:s13+s24], $0x200, s30, s24, $0x38;
	[tilespmem:$0x1C200] =	vst v63  }
0x2d: {  	_ =	swait.ge [sflag:s16], $0x200  }
0x2e: {  	[sflag:s16] =	ssyncset.done $0x0  }
0x2f: {  	[sflag:s16] =	ssyncadd.s32 $0xFFFFFE00  }
0x30: {  	v2 =	vld.msk [tilespmem:$0x0], $0xff;
	_ =	sdelay $0x4  }
0x31: {  	v3 =	vshll.u32 v2, $0x4  }
0x32: {  	v2 =	vand.u32 $0x7, v2;
	v3 =	vand.u32 $0xFFFFFF80, v3  }
0x33: {  	v2 =	vor.u32 v2, v3  }
0x34: {  	v2 =	vperm.xlane v2, v0;
	_ =	sdelay $0x1  }
0x35: {  	v2 =	vadd.s32 v1, v2;
	_ =	sdelay $0x4  }
0x36: {  	[tilespmem:s30], [sflag:$0x1] =	stream.indirect_vreg.gather [hbm4b:s3+s2], $0x80, v2, vm0, $0xb8;
	[tilespmem:$0x1C200] =	vst v63  }
0x37: {  	s19 =	simm.s32 $0xA00  }
0x38: {  	[tilespmem:s19], [sflag:$0x1] =	stream.indirect_vreg.gather [hbm4b:s5+s2], $0x80, v2, vm0, $0xb8;
	[tilespmem:$0x1C200] =	vst v63  }
0x39: {  	s21 =	simm.s32 $0x1200  }
0x3a: {  	[tilespmem:s21], [sflag:$0x1] =	stream.indirect_vreg.gather [hbm4b:s6+s2], $0x80, v2, vm0, $0xb8;
	[tilespmem:$0x1C200] =	vst v63  }
0x3b: {  	s24 =	simm.s32 $0x1A00  }
0x3c: {  	[tilespmem:s24], [sflag:$0x1] =	stream.indirect_vreg.gather [hbm4b:s7+s2], $0x80, v2, vm0, $0xb8;
	[tilespmem:$0x1C200] =	vst v63  }
0x3d: {  	s16 =	simm.s32 $0x2200  }
0x3e: {  	[tilespmem:s16], [sflag:$0x1] =	stream.indirect_vreg.gather [hbm4b:s8+s2], $0x80, v2, vm0, $0xb8;
	[tilespmem:$0x1C200] =	vst v63  }
0x3f: {  	s19 =	simm.s32 $0x2A00  }
0x40: {  	[tilespmem:s19], [sflag:$0x1] =	stream.indirect_vreg.gather [hbm4b:s9+s2], $0x80, v2, vm0, $0xb8;
	[tilespmem:$0x1C200] =	vst v63  }
0x41: {  	s21 =	simm.s32 $0x3200  }
0x42: {  	[tilespmem:s21], [sflag:$0x1] =	stream.indirect_vreg.gather [hbm4b:s10+s2], $0x80, v2, vm0, $0xb8;
	[tilespmem:$0x1C200] =	vst v63  }
0x43: {  	s24 =	simm.s32 $0x3A00  }
0x44: {  	[tilespmem:s24], [sflag:$0x1] =	stream.indirect_vreg.gather [hbm4b:s11+s2], $0x80, v2, vm0, $0xb8;
	[tilespmem:$0x1C200] =	vst v63  }
0x45: {  	v2 =	vld.msk [tilespmem:$0x8], $0xff;
	_ =	sdelay $0x4  }
0x46: {  	v3 =	vshll.u32 v2, $0x4  }
0x47: {  	v2 =	vand.u32 $0x7, v2;
	v3 =	vand.u32 $0xFFFFFF80, v3  }
0x48: {  	v2 =	vor.u32 v2, v3  }
0x49: {  	v2 =	vperm.xlane v2, v0;
	_ =	sdelay $0x1  }
0x4a: {  	v2 =	vadd.s32 v1, v2;
	_ =	sdelay $0x3  }
0x4b: {  	s19 =	simm.s32 $0x4200  }
0x4c: {  	[tilespmem:s19], [sflag:$0x2] =	stream.indirect_vreg.gather [hbm4b:s3+s2], $0x80, v2, vm0, $0xb8;
	[tilespmem:$0x1C200] =	vst v63  }
0x4d: {  	s16 =	simm.s32 $0x4A00  }
0x4e: {  	[tilespmem:s16], [sflag:$0x2] =	stream.indirect_vreg.gather [hbm4b:s5+s2], $0x80, v2, vm0, $0xb8;
	[tilespmem:$0x1C200] =	vst v63  }
0x4f: {  	s21 =	simm.s32 $0x5200  }
0x50: {  	[tilespmem:s21], [sflag:$0x2] =	stream.indirect_vreg.gather [hbm4b:s6+s2], $0x80, v2, vm0, $0xb8;
	[tilespmem:$0x1C200] =	vst v63  }
0x51: {  	s24 =	simm.s32 $0x5A00  }
0x52: {  	[tilespmem:s24], [sflag:$0x2] =	stream.indirect_vreg.gather [hbm4b:s7+s2], $0x80, v2, vm0, $0xb8;
	[tilespmem:$0x1C200] =	vst v63  }
0x53: {  	s16 =	simm.s32 $0x6200  }
0x54: {  	[tilespmem:s16], [sflag:$0x2] =	stream.indirect_vreg.gather [hbm4b:s8+s2], $0x80, v2, vm0, $0xb8;
	[tilespmem:$0x1C200] =	vst v63  }
0x55: {  	s21 =	simm.s32 $0x6A00  }
0x56: {  	[tilespmem:s21], [sflag:$0x2] =	stream.indirect_vreg.gather [hbm4b:s9+s2], $0x80, v2, vm0, $0xb8;
	[tilespmem:$0x1C200] =	vst v63  }
0x57: {  	s24 =	simm.s32 $0x7200  }
0x58: {  	[tilespmem:s24], [sflag:$0x2] =	stream.indirect_vreg.gather [hbm4b:s10+s2], $0x80, v2, vm0, $0xb8;
	[tilespmem:$0x1C200] =	vst v63  }
0x59: {  	s16 =	simm.s32 $0x7A00  }
0x5a: {  	[tilespmem:s16], [sflag:$0x2] =	stream.indirect_vreg.gather [hbm4b:s11+s2], $0x80, v2, vm0, $0xb8;
	[tilespmem:$0x1C200] =	vst v63  }
0x5b: {  	v2 =	vld.msk [tilespmem:$0x10], $0xff;
	_ =	sdelay $0x4  }
0x5c: {  	v3 =	vshll.u32 v2, $0x4  }
0x5d: {  	v2 =	vand.u32 $0x7, v2;
	v3 =	vand.u32 $0xFFFFFF80, v3  }
0x5e: {  	v2 =	vor.u32 v2, v3  }
0x5f: {  	v2 =	vperm.xlane v2, v0;
	_ =	sdelay $0x1  }
0x60: {  	v2 =	vadd.s32 v1, v2;
	_ =	sdelay $0x3  }
0x61: {  	s16 =	simm.s32 $0x8200  }
0x62: {  	[tilespmem:s16], [sflag:$0x3] =	stream.indirect_vreg.gather [hbm4b:s3+s2], $0x80, v2, vm0, $0xb8;
	[tilespmem:$0x1C200] =	vst v63  }
0x63: {  	_ = 	snop  }
0x64: {  	[tilespmem:s28], [sflag:$0x3] =	stream.indirect_vreg.gather [hbm4b:s5+s2], $0x80, v2, vm0, $0xb8;
	[tilespmem:$0x1C200] =	vst v63  }
0x65: {  	s21 =	simm.s32 $0x9200  }
0x66: {  	[tilespmem:s21], [sflag:$0x3] =	stream.indirect_vreg.gather [hbm4b:s6+s2], $0x80, v2, vm0, $0xb8;
	[tilespmem:$0x1C200] =	vst v63  }
0x67: {  	s24 =	simm.s32 $0x9A00  }
0x68: {  	[tilespmem:s24], [sflag:$0x3] =	stream.indirect_vreg.gather [hbm4b:s7+s2], $0x80, v2, vm0, $0xb8;
	[tilespmem:$0x1C200] =	vst v63  }
0x69: {  	s21 =	simm.s32 $0xA200  }
0x6a: {  	[tilespmem:s21], [sflag:$0x3] =	stream.indirect_vreg.gather [hbm4b:s8+s2], $0x80, v2, vm0, $0xb8;
	[tilespmem:$0x1C200] =	vst v63  }
0x6b: {  	s24 =	simm.s32 $0xAA00  }
0x6c: {  	[tilespmem:s24], [sflag:$0x3] =	stream.indirect_vreg.gather [hbm4b:s9+s2], $0x80, v2, vm0, $0xb8;
	[tilespmem:$0x1C200] =	vst v63  }
0x6d: {  	s21 =	simm.s32 $0xB200  }
0x6e: {  	[tilespmem:s21], [sflag:$0x3] =	stream.indirect_vreg.gather [hbm4b:s10+s2], $0x80, v2, vm0, $0xb8;
	[tilespmem:$0x1C200] =	vst v63  }
0x6f: {  	s24 =	simm.s32 $0xBA00  }
0x70: {  	[tilespmem:s24], [sflag:$0x3] =	stream.indirect_vreg.gather [hbm4b:s11+s2], $0x80, v2, vm0, $0xb8;
	[tilespmem:$0x1C200] =	vst v63  }
0x71: {  	v2 =	vld.msk [tilespmem:$0x18], $0xff;
	_ =	sdelay $0x4  }
0x72: {  	v3 =	vshll.u32 v2, $0x4  }
0x73: {  	v2 =	vand.u32 $0x7, v2;
	v3 =	vand.u32 $0xFFFFFF80, v3  }
0x74: {  	v2 =	vor.u32 v2, v3  }
0x75: {  	v2 =	vperm.xlane v2, v0;
	_ =	sdelay $0x1  }
0x76: {  	v2 =	vadd.s32 v1, v2;
	_ =	sdelay $0x3  }
0x77: {  	s24 =	simm.s32 $0xC200  }
0x78: {  	[tilespmem:s24], [sflag:$0x4] =	stream.indirect_vreg.gather [hbm4b:s3+s2], $0x80, v2, vm0, $0xb8;
	[tilespmem:$0x1C200] =	vst v63  }
0x79: {  	_ = 	snop  }
0x7a: {  	[tilespmem:s0], [sflag:$0x4] =	stream.indirect_vreg.gather [hbm4b:s5+s2], $0x80, v2, vm0, $0xb8;
	[tilespmem:$0x1C200] =	vst v63  }
0x7b: {  	_ = 	snop  }
0x7c: {  	[tilespmem:s18], [sflag:$0x4] =	stream.indirect_vreg.gather [hbm4b:s6+s2], $0x80, v2, vm0, $0xb8;
	[tilespmem:$0x1C200] =	vst v63  }
0x7d: {  	s21 =	simm.s32 $0xDA00  }
0x7e: {  	[tilespmem:s21], [sflag:$0x4] =	stream.indirect_vreg.gather [hbm4b:s7+s2], $0x80, v2, vm0, $0xb8;
	[tilespmem:$0x1C200] =	vst v63  }
0x7f: {  	s21 =	simm.s32 $0xE200  }
0x80: {  	[tilespmem:s21], [sflag:$0x4] =	stream.indirect_vreg.gather [hbm4b:s8+s2], $0x80, v2, vm0, $0xb8;
	[tilespmem:$0x1C200] =	vst v63  }
0x81: {  	s21 =	simm.s32 $0xEA00  }
0x82: {  	[tilespmem:s21], [sflag:$0x4] =	stream.indirect_vreg.gather [hbm4b:s9+s2], $0x80, v2, vm0, $0xb8;
	[tilespmem:$0x1C200] =	vst v63  }
0x83: {  	s21 =	simm.s32 $0xF200  }
0x84: {  	[tilespmem:s21], [sflag:$0x4] =	stream.indirect_vreg.gather [hbm4b:s10+s2], $0x80, v2, vm0, $0xb8;
	[tilespmem:$0x1C200] =	vst v63  }
0x85: {  	s21 =	simm.s32 $0xFA00  }
0x86: {  	[tilespmem:s21], [sflag:$0x4] =	stream.indirect_vreg.gather [hbm4b:s11+s2], $0x80, v2, vm0, $0xb8;
	[tilespmem:$0x1C200] =	vst v63  }
0x87: {  	v2 =	vld.msk [tilespmem:$0x20], $0xff;
	_ =	sdelay $0x4  }
0x88: {  	v3 =	vshll.u32 v2, $0x4  }
0x89: {  	v2 =	vand.u32 $0x7, v2;
	v3 =	vand.u32 $0xFFFFFF80, v3  }
0x8a: {  	v2 =	vor.u32 v2, v3  }
0x8b: {  	v2 =	vperm.xlane v2, v0;
	_ =	sdelay $0x1  }
0x8c: {  	v2 =	vadd.s32 v1, v2;
	_ =	sdelay $0x3  }
0x8d: {  	s21 =	simm.s32 $0x10200  }
0x8e: {  	[tilespmem:s21], [sflag:$0x5] =	stream.indirect_vreg.gather [hbm4b:s3+s2], $0x80, v2, vm0, $0xb8;
	[tilespmem:$0x1C200] =	vst v63  }
0x8f: {  	_ = 	snop  }
0x90: {  	[tilespmem:s20], [sflag:$0x5] =	stream.indirect_vreg.gather [hbm4b:s5+s2], $0x80, v2, vm0, $0xb8;
	[tilespmem:$0x1C200] =	vst v63  }
0x91: {  	_ = 	snop  }
0x92: {  	[tilespmem:s14], [sflag:$0x5] =	stream.indirect_vreg.gather [hbm4b:s6+s2], $0x80, v2, vm0, $0xb8;
	[tilespmem:$0x1C200] =	vst v63  }
0x93: {  	s21 =	simm.s32 $0x11A00  }
0x94: {  	[tilespmem:s21], [sflag:$0x5] =	stream.indirect_vreg.gather [hbm4b:s7+s2], $0x80, v2, vm0, $0xb8;
	[tilespmem:$0x1C200] =	vst v63  }
0x95: {  	s21 =	simm.s32 $0x12200  }
0x96: {  	[tilespmem:s21], [sflag:$0x5] =	stream.indirect_vreg.gather [hbm4b:s8+s2], $0x80, v2, vm0, $0xb8;
	[tilespmem:$0x1C200] =	vst v63  }
0x97: {  	s21 =	simm.s32 $0x12A00  }
0x98: {  	[tilespmem:s21], [sflag:$0x5] =	stream.indirect_vreg.gather [hbm4b:s9+s2], $0x80, v2, vm0, $0xb8;
	[tilespmem:$0x1C200] =	vst v63  }
0x99: {  	s21 =	simm.s32 $0x13200  }
0x9a: {  	[tilespmem:s21], [sflag:$0x5] =	stream.indirect_vreg.gather [hbm4b:s10+s2], $0x80, v2, vm0, $0xb8;
	[tilespmem:$0x1C200] =	vst v63  }
0x9b: {  	s21 =	simm.s32 $0x13A00  }
0x9c: {  	[tilespmem:s21], [sflag:$0x5] =	stream.indirect_vreg.gather [hbm4b:s11+s2], $0x80, v2, vm0, $0xb8;
	[tilespmem:$0x1C200] =	vst v63  }
0x9d: {  	v2 =	vld.msk [tilespmem:$0x28], $0xff;
	_ =	sdelay $0x4  }
0x9e: {  	v3 =	vshll.u32 v2, $0x4  }
0x9f: {  	v2 =	vand.u32 $0x7, v2;
	v3 =	vand.u32 $0xFFFFFF80, v3  }
0xa0: {  	v2 =	vor.u32 v2, v3  }
0xa1: {  	v2 =	vperm.xlane v2, v0;
	_ =	sdelay $0x1  }
0xa2: {  	v2 =	vadd.s32 v1, v2;
	_ =	sdelay $0x3  }
0xa3: {  	s21 =	simm.s32 $0x14200  }
0xa4: {  	[tilespmem:s21], [sflag:$0x6] =	stream.indirect_vreg.gather [hbm4b:s3+s2], $0x80, v2, vm0, $0xb8;
	[tilespmem:$0x1C200] =	vst v63  }
0xa5: {  	s21 =	simm.s32 $0x14A00  }
0xa6: {  	[tilespmem:s21], [sflag:$0x6] =	stream.indirect_vreg.gather [hbm4b:s5+s2], $0x80, v2, vm0, $0xb8;
	[tilespmem:$0x1C200] =	vst v63  }
0xa7: {  	s21 =	simm.s32 $0x15200  }
0xa8: {  	[tilespmem:s21], [sflag:$0x6] =	stream.indirect_vreg.gather [hbm4b:s6+s2], $0x80, v2, vm0, $0xb8;
	[tilespmem:$0x1C200] =	vst v63  }
0xa9: {  	s21 =	simm.s32 $0x15A00  }
0xaa: {  	[tilespmem:s21], [sflag:$0x6] =	stream.indirect_vreg.gather [hbm4b:s7+s2], $0x80, v2, vm0, $0xb8;
	[tilespmem:$0x1C200] =	vst v63  }
0xab: {  	s21 =	simm.s32 $0x16200  }
0xac: {  	[tilespmem:s21], [sflag:$0x6] =	stream.indirect_vreg.gather [hbm4b:s8+s2], $0x80, v2, vm0, $0xb8;
	[tilespmem:$0x1C200] =	vst v63  }
0xad: {  	s21 =	simm.s32 $0x16A00  }
0xae: {  	[tilespmem:s21], [sflag:$0x6] =	stream.indirect_vreg.gather [hbm4b:s9+s2], $0x80, v2, vm0, $0xb8;
	[tilespmem:$0x1C200] =	vst v63  }
0xaf: {  	s21 =	simm.s32 $0x17200  }
0xb0: {  	[tilespmem:s21], [sflag:$0x6] =	stream.indirect_vreg.gather [hbm4b:s10+s2], $0x80, v2, vm0, $0xb8;
	[tilespmem:$0x1C200] =	vst v63  }
0xb1: {  	s21 =	simm.s32 $0x17A00  }
0xb2: {  	[tilespmem:s21], [sflag:$0x6] =	stream.indirect_vreg.gather [hbm4b:s11+s2], $0x80, v2, vm0, $0xb8;
	[tilespmem:$0x1C200] =	vst v63  }
0xb3: {  	_ =	swait.ge [sflag:s26], $0x4000  }
0xb4: {  	[sflag:s26] =	ssyncset.done $0x0  }
0xb5: {  	s21 =	rddreg [dreg:$0xc];
	[sflag:s26] =	ssyncadd.s32 $0xFFFFC000  }
0xb6: {  	[hbm4b:s21+s2] =	stream.linear.scatter [tilespmem:s30], [sflag:$0x8], $0x4000, $0x38;
	[tilespmem:$0x1C200] =	vst v63  }
0xb7: {  	v2 =	vld.msk [tilespmem:$0x30], $0xff;
	_ =	sdelay $0x4  }
0xb8: {  	v3 =	vshll.u32 v2, $0x4  }
0xb9: {  	v2 =	vand.u32 $0x7, v2;
	v3 =	vand.u32 $0xFFFFFF80, v3  }
0xba: {  	v2 =	vor.u32 v2, v3  }
0xbb: {  	v2 =	vperm.xlane v2, v0;
	_ =	sdelay $0x1  }
0xbc: {  	v2 =	vadd.s32 v1, v2;
	_ =	sdelay $0x3  }
0xbd: {  	s21 =	simm.s32 $0x18200  }
0xbe: {  	[tilespmem:s21], [sflag:$0x7] =	stream.indirect_vreg.gather [hbm4b:s3+s2], $0x80, v2, vm0, $0xb8;
	[tilespmem:$0x1C200] =	vst v63  }
0xbf: {  	s13 =	simm.s32 $0x18A00  }
0xc0: {  	[tilespmem:s13], [sflag:$0x7] =	stream.indirect_vreg.gather [hbm4b:s5+s2], $0x80, v2, vm0, $0xb8;
	[tilespmem:$0x1C200] =	vst v63  }
0xc1: {  	s13 =	simm.s32 $0x19200  }
0xc2: {  	[tilespmem:s13], [sflag:$0x7] =	stream.indirect_vreg.gather [hbm4b:s6+s2], $0x80, v2, vm0, $0xb8;
	[tilespmem:$0x1C200] =	vst v63  }
0xc3: {  	s13 =	simm.s32 $0x19A00  }
0xc4: {  	[tilespmem:s13], [sflag:$0x7] =	stream.indirect_vreg.gather [hbm4b:s7+s2], $0x80, v2, vm0, $0xb8;
	[tilespmem:$0x1C200] =	vst v63  }
0xc5: {  	s13 =	simm.s32 $0x1A200  }
0xc6: {  	[tilespmem:s13], [sflag:$0x7] =	stream.indirect_vreg.gather [hbm4b:s8+s2], $0x80, v2, vm0, $0xb8;
	[tilespmem:$0x1C200] =	vst v63  }
0xc7: {  	s13 =	simm.s32 $0x1AA00  }
0xc8: {  	[tilespmem:s13], [sflag:$0x7] =	stream.indirect_vreg.gather [hbm4b:s9+s2], $0x80, v2, vm0, $0xb8;
	[tilespmem:$0x1C200] =	vst v63  }
0xc9: {  	s13 =	simm.s32 $0x1B200  }
0xca: {  	[tilespmem:s13], [sflag:$0x7] =	stream.indirect_vreg.gather [hbm4b:s10+s2], $0x80, v2, vm0, $0xb8;
	[tilespmem:$0x1C200] =	vst v63  }
0xcb: {  	s13 =	simm.s32 $0x1BA00  }
0xcc: {  	[tilespmem:s13], [sflag:$0x7] =	stream.indirect_vreg.gather [hbm4b:s11+s2], $0x80, v2, vm0, $0xb8;
	[tilespmem:$0x1C200] =	vst v63  }
0xcd: {  	s13 =	simm.s32 $0x2  }
0xce: {  	_ =	swait.ge [sflag:s13], $0x4000  }
0xcf: {  	[sflag:s13] =	ssyncset.done $0x0  }
0xd0: {  	[sflag:s13] =	ssyncadd.s32 $0xFFFFC000;
	s13 =	rddreg [dreg:$0xd]  }
0xd1: {  	[hbm4b:s13+s2] =	stream.linear.scatter [tilespmem:s19], [sflag:$0x9], $0x4000, $0x38;
	[tilespmem:$0x1C200] =	vst v63  }
0xd2: {  	_ =	swait.ge [sflag:s15], $0x4000  }
0xd3: {  	[sflag:s15] =	ssyncset.done $0x0  }
0xd4: {  	[sflag:s15] =	ssyncadd.s32 $0xFFFFC000  }
0xd5: {  	v2 =	vld.msk [tilespmem:$0x38], $0xff;
	_ =	sdelay $0x4  }
0xd6: {  	v3 =	vshll.u32 v2, $0x4  }
0xd7: {  	v2 =	vand.u32 $0x7, v2;
	v3 =	vand.u32 $0xFFFFFF80, v3  }
0xd8: {  	v2 =	vor.u32 v2, v3  }
0xd9: {  	v2 =	vperm.xlane v2, v0;
	_ =	sdelay $0x1  }
0xda: {  	v2 =	vadd.s32 v1, v2;
	_ =	sdelay $0x4  }
0xdb: {  	[tilespmem:s30], [sflag:$0x1] =	stream.indirect_vreg.gather [hbm4b:s3+s2], $0x80, v2, vm0, $0xb8;
	[tilespmem:$0x1C200] =	vst v63  }
0xdc: {  	s30 =	simm.s32 $0xA00  }
0xdd: {  	[tilespmem:s30], [sflag:$0x1] =	stream.indirect_vreg.gather [hbm4b:s5+s2], $0x80, v2, vm0, $0xb8;
	[tilespmem:$0x1C200] =	vst v63  }
0xde: {  	s30 =	simm.s32 $0x1200  }
0xdf: {  	[tilespmem:s30], [sflag:$0x1] =	stream.indirect_vreg.gather [hbm4b:s6+s2], $0x80, v2, vm0, $0xb8;
	[tilespmem:$0x1C200] =	vst v63  }
0xe0: {  	s30 =	simm.s32 $0x1A00  }
0xe1: {  	[tilespmem:s30], [sflag:$0x1] =	stream.indirect_vreg.gather [hbm4b:s7+s2], $0x80, v2, vm0, $0xb8;
	[tilespmem:$0x1C200] =	vst v63  }
0xe2: {  	s30 =	simm.s32 $0x2200  }
0xe3: {  	[tilespmem:s30], [sflag:$0x1] =	stream.indirect_vreg.gather [hbm4b:s8+s2], $0x80, v2, vm0, $0xb8;
	[tilespmem:$0x1C200] =	vst v63  }
0xe4: {  	s30 =	simm.s32 $0x2A00  }
0xe5: {  	[tilespmem:s30], [sflag:$0x1] =	stream.indirect_vreg.gather [hbm4b:s9+s2], $0x80, v2, vm0, $0xb8;
	[tilespmem:$0x1C200] =	vst v63  }
0xe6: {  	s30 =	simm.s32 $0x3200  }
0xe7: {  	[tilespmem:s30], [sflag:$0x1] =	stream.indirect_vreg.gather [hbm4b:s10+s2], $0x80, v2, vm0, $0xb8;
	[tilespmem:$0x1C200] =	vst v63  }
0xe8: {  	s30 =	simm.s32 $0x3A00  }
0xe9: {  	[tilespmem:s30], [sflag:$0x1] =	stream.indirect_vreg.gather [hbm4b:s11+s2], $0x80, v2, vm0, $0xb8;
	[tilespmem:$0x1C200] =	vst v63  }
0xea: {  	s30 =	simm.s32 $0x3  }
0xeb: {  	_ =	swait.ge [sflag:s30], $0x4000  }
0xec: {  	[sflag:s30] =	ssyncset.done $0x0  }
0xed: {  	[sflag:s30] =	ssyncadd.s32 $0xFFFFC000;
	s30 =	rddreg [dreg:$0xe]  }
0xee: {  	[hbm4b:s30+s2] =	stream.linear.scatter [tilespmem:s16], [sflag:$0xA], $0x4000, $0x38;
	[tilespmem:$0x1C200] =	vst v63  }
0xef: {  	s30 =	simm.s32 $0x9  }
0xf0: {  	_ =	swait.ge [sflag:s30], $0x4000  }
0xf1: {  	[sflag:s30] =	ssyncset.done $0x0  }
0xf2: {  	[sflag:s30] =	ssyncadd.s32 $0xFFFFC000  }
0xf3: {  	v2 =	vld.msk [tilespmem:$0x40], $0xff;
	_ =	sdelay $0x4  }
0xf4: {  	v3 =	vshll.u32 v2, $0x4  }
0xf5: {  	v2 =	vand.u32 $0x7, v2;
	v3 =	vand.u32 $0xFFFFFF80, v3  }
0xf6: {  	v2 =	vor.u32 v2, v3  }
0xf7: {  	v2 =	vperm.xlane v2, v0;
	_ =	sdelay $0x1  }
0xf8: {  	v2 =	vadd.s32 v1, v2;
	_ =	sdelay $0x4  }
0xf9: {  	[tilespmem:s19], [sflag:$0x2] =	stream.indirect_vreg.gather [hbm4b:s3+s2], $0x80, v2, vm0, $0xb8;
	[tilespmem:$0x1C200] =	vst v63  }
0xfa: {  	s19 =	simm.s32 $0x4A00  }
0xfb: {  	[tilespmem:s19], [sflag:$0x2] =	stream.indirect_vreg.gather [hbm4b:s5+s2], $0x80, v2, vm0, $0xb8;
	[tilespmem:$0x1C200] =	vst v63  }
0xfc: {  	s30 =	simm.s32 $0x5200  }
0xfd: {  	[tilespmem:s30], [sflag:$0x2] =	stream.indirect_vreg.gather [hbm4b:s6+s2], $0x80, v2, vm0, $0xb8;
	[tilespmem:$0x1C200] =	vst v63  }
0xfe: {  	s19 =	simm.s32 $0x5A00  }
0xff: {  	[tilespmem:s19], [sflag:$0x2] =	stream.indirect_vreg.gather [hbm4b:s7+s2], $0x80, v2, vm0, $0xb8;
	[tilespmem:$0x1C200] =	vst v63  }
0x100: {  	s30 =	simm.s32 $0x6200  }
0x101: {  	[tilespmem:s30], [sflag:$0x2] =	stream.indirect_vreg.gather [hbm4b:s8+s2], $0x80, v2, vm0, $0xb8;
	[tilespmem:$0x1C200] =	vst v63  }
0x102: {  	s19 =	simm.s32 $0x6A00  }
0x103: {  	[tilespmem:s19], [sflag:$0x2] =	stream.indirect_vreg.gather [hbm4b:s9+s2], $0x80, v2, vm0, $0xb8;
	[tilespmem:$0x1C200] =	vst v63  }
0x104: {  	s30 =	simm.s32 $0x7200  }
0x105: {  	[tilespmem:s30], [sflag:$0x2] =	stream.indirect_vreg.gather [hbm4b:s10+s2], $0x80, v2, vm0, $0xb8;
	[tilespmem:$0x1C200] =	vst v63  }
0x106: {  	s19 =	simm.s32 $0x7A00  }
0x107: {  	[tilespmem:s19], [sflag:$0x2] =	stream.indirect_vreg.gather [hbm4b:s11+s2], $0x80, v2, vm0, $0xb8;
	[tilespmem:$0x1C200] =	vst v63  }
0x108: {  	_ =	swait.ge [sflag:s22], $0x4000  }
0x109: {  	[sflag:s22] =	ssyncset.done $0x0  }
0x10a: {  	s30 =	rddreg [dreg:$0xf];
	[sflag:s22] =	ssyncadd.s32 $0xFFFFC000  }
0x10b: {  	[hbm4b:s30+s2] =	stream.linear.scatter [tilespmem:s24], [sflag:$0xB], $0x4000, $0x38;
	[tilespmem:$0x1C200] =	vst v63  }
0x10c: {  	_ =	swait.ge [sflag:s23], $0x4000  }
0x10d: {  	[sflag:s23] =	ssyncset.done $0x0  }
0x10e: {  	[sflag:s23] =	ssyncadd.s32 $0xFFFFC000  }
0x10f: {  	v2 =	vld.msk [tilespmem:$0x48], $0xff;
	_ =	sdelay $0x4  }
0x110: {  	v3 =	vshll.u32 v2, $0x4  }
0x111: {  	v2 =	vand.u32 $0x7, v2;
	v3 =	vand.u32 $0xFFFFFF80, v3  }
0x112: {  	v2 =	vor.u32 v2, v3  }
0x113: {  	v2 =	vperm.xlane v2, v0;
	_ =	sdelay $0x1  }
0x114: {  	v2 =	vadd.s32 v1, v2;
	_ =	sdelay $0x4  }
0x115: {  	[tilespmem:s16], [sflag:$0x3] =	stream.indirect_vreg.gather [hbm4b:s3+s2], $0x80, v2, vm0, $0xb8;
	[tilespmem:$0x1C200] =	vst v63  }
0x116: {  	_ = 	snop  }
0x117: {  	[tilespmem:s28], [sflag:$0x3] =	stream.indirect_vreg.gather [hbm4b:s5+s2], $0x80, v2, vm0, $0xb8;
	[tilespmem:$0x1C200] =	vst v63  }
0x118: {  	s16 =	simm.s32 $0x9200  }
0x119: {  	[tilespmem:s16], [sflag:$0x3] =	stream.indirect_vreg.gather [hbm4b:s6+s2], $0x80, v2, vm0, $0xb8;
	[tilespmem:$0x1C200] =	vst v63  }
0x11a: {  	s19 =	simm.s32 $0x9A00  }
0x11b: {  	[tilespmem:s19], [sflag:$0x3] =	stream.indirect_vreg.gather [hbm4b:s7+s2], $0x80, v2, vm0, $0xb8;
	[tilespmem:$0x1C200] =	vst v63  }
0x11c: {  	s28 =	simm.s32 $0xA200  }
0x11d: {  	[tilespmem:s28], [sflag:$0x3] =	stream.indirect_vreg.gather [hbm4b:s8+s2], $0x80, v2, vm0, $0xb8;
	[tilespmem:$0x1C200] =	vst v63  }
0x11e: {  	s30 =	simm.s32 $0xAA00  }
0x11f: {  	[tilespmem:s30], [sflag:$0x3] =	stream.indirect_vreg.gather [hbm4b:s9+s2], $0x80, v2, vm0, $0xb8;
	[tilespmem:$0x1C200] =	vst v63  }
0x120: {  	s16 =	simm.s32 $0xB200  }
0x121: {  	[tilespmem:s16], [sflag:$0x3] =	stream.indirect_vreg.gather [hbm4b:s10+s2], $0x80, v2, vm0, $0xb8;
	[tilespmem:$0x1C200] =	vst v63  }
0x122: {  	s19 =	simm.s32 $0xBA00  }
0x123: {  	[tilespmem:s19], [sflag:$0x3] =	stream.indirect_vreg.gather [hbm4b:s11+s2], $0x80, v2, vm0, $0xb8;
	[tilespmem:$0x1C200] =	vst v63  }
0x124: {  	_ =	swait.ge [sflag:s25], $0x4000  }
0x125: {  	[sflag:s25] =	ssyncset.done $0x0  }
0x126: {  	s16 =	simm.s32 $0x10200;
	s28 =	rddreg [dreg:$0x10];
	[sflag:s25] =	ssyncadd.s32 $0xFFFFC000  }
0x127: {  	[hbm4b:s28+s2] =	stream.linear.scatter [tilespmem:s16], [sflag:$0xC], $0x4000, $0x38;
	[tilespmem:$0x1C200] =	vst v63  }
0x128: {  	_ =	swait.ge [sflag:s1], $0x4000  }
0x129: {  	[sflag:s1] =	ssyncset.done $0x0  }
0x12a: {  	[sflag:s1] =	ssyncadd.s32 $0xFFFFC000  }
0x12b: {  	v2 =	vld.msk [tilespmem:$0x50], $0xff;
	_ =	sdelay $0x4  }
0x12c: {  	v3 =	vshll.u32 v2, $0x4  }
0x12d: {  	v2 =	vand.u32 $0x7, v2;
	v3 =	vand.u32 $0xFFFFFF80, v3  }
0x12e: {  	v2 =	vor.u32 v2, v3  }
0x12f: {  	v2 =	vperm.xlane v2, v0;
	_ =	sdelay $0x1  }
0x130: {  	v2 =	vadd.s32 v1, v2;
	_ =	sdelay $0x4  }
0x131: {  	[tilespmem:s24], [sflag:$0x4] =	stream.indirect_vreg.gather [hbm4b:s3+s2], $0x80, v2, vm0, $0xb8;
	[tilespmem:$0x1C200] =	vst v63  }
0x132: {  	_ = 	snop  }
0x133: {  	[tilespmem:s0], [sflag:$0x4] =	stream.indirect_vreg.gather [hbm4b:s5+s2], $0x80, v2, vm0, $0xb8;
	[tilespmem:$0x1C200] =	vst v63  }
0x134: {  	_ = 	snop  }
0x135: {  	[tilespmem:s18], [sflag:$0x4] =	stream.indirect_vreg.gather [hbm4b:s6+s2], $0x80, v2, vm0, $0xb8;
	[tilespmem:$0x1C200] =	vst v63  }
0x136: {  	s30 =	simm.s32 $0xDA00  }
0x137: {  	[tilespmem:s30], [sflag:$0x4] =	stream.indirect_vreg.gather [hbm4b:s7+s2], $0x80, v2, vm0, $0xb8;
	[tilespmem:$0x1C200] =	vst v63  }
0x138: {  	s13 =	simm.s32 $0xE200  }
0x139: {  	[tilespmem:s13], [sflag:$0x4] =	stream.indirect_vreg.gather [hbm4b:s8+s2], $0x80, v2, vm0, $0xb8;
	[tilespmem:$0x1C200] =	vst v63  }
0x13a: {  	s18 =	simm.s32 $0xEA00  }
0x13b: {  	[tilespmem:s18], [sflag:$0x4] =	stream.indirect_vreg.gather [hbm4b:s9+s2], $0x80, v2, vm0, $0xb8;
	[tilespmem:$0x1C200] =	vst v63  }
0x13c: {  	s19 =	simm.s32 $0xF200  }
0x13d: {  	[tilespmem:s19], [sflag:$0x4] =	stream.indirect_vreg.gather [hbm4b:s10+s2], $0x80, v2, vm0, $0xb8;
	[tilespmem:$0x1C200] =	vst v63  }
0x13e: {  	s24 =	simm.s32 $0xFA00  }
0x13f: {  	[tilespmem:s24], [sflag:$0x4] =	stream.indirect_vreg.gather [hbm4b:s11+s2], $0x80, v2, vm0, $0xb8;
	[tilespmem:$0x1C200] =	vst v63  }
0x140: {  	_ =	swait.ge [sflag:s12], $0x4000  }
0x141: {  	[sflag:s12] =	ssyncset.done $0x0  }
0x142: {  	s30 =	simm.s32 $0x14200;
	s28 =	rddreg [dreg:$0x11];
	[sflag:s12] =	ssyncadd.s32 $0xFFFFC000  }
0x143: {  	[hbm4b:s28+s2] =	stream.linear.scatter [tilespmem:s30], [sflag:$0xD], $0x4000, $0x38;
	[tilespmem:$0x1C200] =	vst v63  }
0x144: {  	_ =	swait.ge [sflag:s29], $0x4000  }
0x145: {  	[sflag:s29] =	ssyncset.done $0x0  }
0x146: {  	[sflag:s29] =	ssyncadd.s32 $0xFFFFC000  }
0x147: {  	v2 =	vld.msk [tilespmem:$0x58], $0xff;
	_ =	sdelay $0x4  }
0x148: {  	v3 =	vshll.u32 v2, $0x4  }
0x149: {  	v2 =	vand.u32 $0x7, v2;
	v3 =	vand.u32 $0xFFFFFF80, v3  }
0x14a: {  	v2 =	vor.u32 v2, v3  }
0x14b: {  	v2 =	vperm.xlane v2, v0;
	_ =	sdelay $0x1  }
0x14c: {  	v2 =	vadd.s32 v1, v2;
	_ =	sdelay $0x4  }
0x14d: {  	[tilespmem:s16], [sflag:$0x5] =	stream.indirect_vreg.gather [hbm4b:s3+s2], $0x80, v2, vm0, $0xb8;
	[tilespmem:$0x1C200] =	vst v63  }
0x14e: {  	_ = 	snop  }
0x14f: {  	[tilespmem:s20], [sflag:$0x5] =	stream.indirect_vreg.gather [hbm4b:s5+s2], $0x80, v2, vm0, $0xb8;
	[tilespmem:$0x1C200] =	vst v63  }
0x150: {  	_ = 	snop  }
0x151: {  	[tilespmem:s14], [sflag:$0x5] =	stream.indirect_vreg.gather [hbm4b:s6+s2], $0x80, v2, vm0, $0xb8;
	[tilespmem:$0x1C200] =	vst v63  }
0x152: {  	s18 =	simm.s32 $0x11A00  }
0x153: {  	[tilespmem:s18], [sflag:$0x5] =	stream.indirect_vreg.gather [hbm4b:s7+s2], $0x80, v2, vm0, $0xb8;
	[tilespmem:$0x1C200] =	vst v63  }
0x154: {  	s19 =	simm.s32 $0x12200  }
0x155: {  	[tilespmem:s19], [sflag:$0x5] =	stream.indirect_vreg.gather [hbm4b:s8+s2], $0x80, v2, vm0, $0xb8;
	[tilespmem:$0x1C200] =	vst v63  }
0x156: {  	s20 =	simm.s32 $0x12A00  }
0x157: {  	[tilespmem:s20], [sflag:$0x5] =	stream.indirect_vreg.gather [hbm4b:s9+s2], $0x80, v2, vm0, $0xb8;
	[tilespmem:$0x1C200] =	vst v63  }
0x158: {  	s24 =	simm.s32 $0x13200  }
0x159: {  	[tilespmem:s24], [sflag:$0x5] =	stream.indirect_vreg.gather [hbm4b:s10+s2], $0x80, v2, vm0, $0xb8;
	[tilespmem:$0x1C200] =	vst v63  }
0x15a: {  	s28 =	simm.s32 $0x13A00  }
0x15b: {  	[tilespmem:s28], [sflag:$0x5] =	stream.indirect_vreg.gather [hbm4b:s11+s2], $0x80, v2, vm0, $0xb8;
	[tilespmem:$0x1C200] =	vst v63  }
0x15c: {  	_ =	swait.ge [sflag:s31], $0x4000  }
0x15d: {  	s13 =	simm.s32 $0x90;
	[sflag:s31] =	ssyncset.done $0x0  }
0x15e: {  	s16 =	simm.s32 $0x0;
	s30 =	rddreg [dreg:$0x12];
	[sflag:s31] =	ssyncadd.s32 $0xFFFFC000  }
0x15f: {  	[hbm4b:s30+s2] =	stream.linear.scatter [tilespmem:s21], [sflag:$0xE], $0x4000, $0x38;
	[tilespmem:$0x1C200] =	vst v63  }
.LBB2_2:
0x160: {  	_ =	swait.ge [sflag:s4], $0x4000  }
0x161: {  	[sflag:s4] =	ssyncset.done $0x0  }
0x162: {  	[sflag:s4] =	ssyncadd.s32 $0xFFFFC000  }
0x163: {  	v2 =	vld.msk [tilespmem:s13+$0xFFFFFFD0], $0xff;
	_ =	sdelay $0x4  }
0x164: {  	v3 =	vshll.u32 v2, $0x4  }
0x165: {  	v2 =	vand.u32 $0x7, v2;
	v3 =	vand.u32 $0xFFFFFF80, v3  }
0x166: {  	v2 =	vor.u32 v2, v3  }
0x167: {  	v2 =	vperm.xlane v2, v0;
	_ =	sdelay $0x1  }
0x168: {  	v2 =	vadd.s32 v1, v2;
	_ =	sdelay $0x3  }
0x169: {  	s14 =	simm.s32 $0x14200  }
0x16a: {  	[tilespmem:s14], [sflag:$0x6] =	stream.indirect_vreg.gather [hbm4b:s3+s2], $0x80, v2, vm0, $0xb8;
	[tilespmem:$0x1C200] =	vst v63  }
0x16b: {  	s0 =	simm.s32 $0x14A00  }
0x16c: {  	[tilespmem:s0], [sflag:$0x6] =	stream.indirect_vreg.gather [hbm4b:s5+s2], $0x80, v2, vm0, $0xb8;
	[tilespmem:$0x1C200] =	vst v63  }
0x16d: {  	s19 =	simm.s32 $0x15200  }
0x16e: {  	[tilespmem:s19], [sflag:$0x6] =	stream.indirect_vreg.gather [hbm4b:s6+s2], $0x80, v2, vm0, $0xb8;
	[tilespmem:$0x1C200] =	vst v63  }
0x16f: {  	s20 =	simm.s32 $0x15A00  }
0x170: {  	[tilespmem:s20], [sflag:$0x6] =	stream.indirect_vreg.gather [hbm4b:s7+s2], $0x80, v2, vm0, $0xb8;
	[tilespmem:$0x1C200] =	vst v63  }
0x171: {  	s21 =	simm.s32 $0x16200  }
0x172: {  	[tilespmem:s21], [sflag:$0x6] =	stream.indirect_vreg.gather [hbm4b:s8+s2], $0x80, v2, vm0, $0xb8;
	[tilespmem:$0x1C200] =	vst v63  }
0x173: {  	s24 =	simm.s32 $0x16A00  }
0x174: {  	[tilespmem:s24], [sflag:$0x6] =	stream.indirect_vreg.gather [hbm4b:s9+s2], $0x80, v2, vm0, $0xb8;
	[tilespmem:$0x1C200] =	vst v63  }
0x175: {  	s18 =	simm.s32 $0x17200  }
0x176: {  	[tilespmem:s18], [sflag:$0x6] =	stream.indirect_vreg.gather [hbm4b:s10+s2], $0x80, v2, vm0, $0xb8;
	[tilespmem:$0x1C200] =	vst v63  }
0x177: {  	s19 =	simm.s32 $0x17A00  }
0x178: {  	[tilespmem:s19], [sflag:$0x6] =	stream.indirect_vreg.gather [hbm4b:s11+s2], $0x80, v2, vm0, $0xb8;
	[tilespmem:$0x1C200] =	vst v63  }
0x179: {  	_ =	swait.ge [sflag:s26], $0x4000  }
0x17a: {  	s24 =	rddreg [dreg:$0x6];
	[sflag:s26] =	ssyncset.done $0x0  }
0x17b: {  	s19 =	simm.s32 $0x200;
	[sflag:s26] =	ssyncadd.s32 $0xFFFFC000;
	s24 =	sadd.s32 s16, s24  }
0x17c: {  	[hbm4b:s24+s2] =	stream.linear.scatter [tilespmem:s19], [sflag:$0x8], $0x4000, $0x38;
	[tilespmem:$0x1C200] =	vst v63  }
0x17d: {  	_ =	swait.ge [sflag:s17], $0x4000  }
0x17e: {  	[sflag:s17] =	ssyncset.done $0x0  }
0x17f: {  	[sflag:s17] =	ssyncadd.s32 $0xFFFFC000  }
0x180: {  	v2 =	vld.msk [tilespmem:s13+$0xFFFFFFD8], $0xff;
	_ =	sdelay $0x4  }
0x181: {  	v3 =	vshll.u32 v2, $0x4  }
0x182: {  	v2 =	vand.u32 $0x7, v2;
	v3 =	vand.u32 $0xFFFFFF80, v3  }
0x183: {  	v2 =	vor.u32 v2, v3  }
0x184: {  	v2 =	vperm.xlane v2, v0;
	_ =	sdelay $0x1  }
0x185: {  	v2 =	vadd.s32 v1, v2;
	_ =	sdelay $0x3  }
0x186: {  	s21 =	simm.s32 $0x18200  }
0x187: {  	[tilespmem:s21], [sflag:$0x7] =	stream.indirect_vreg.gather [hbm4b:s3+s2], $0x80, v2, vm0, $0xb8;
	[tilespmem:$0x1C200] =	vst v63  }
0x188: {  	s20 =	simm.s32 $0x18A00  }
0x189: {  	[tilespmem:s20], [sflag:$0x7] =	stream.indirect_vreg.gather [hbm4b:s5+s2], $0x80, v2, vm0, $0xb8;
	[tilespmem:$0x1C200] =	vst v63  }
0x18a: {  	s24 =	simm.s32 $0x19200  }
0x18b: {  	[tilespmem:s24], [sflag:$0x7] =	stream.indirect_vreg.gather [hbm4b:s6+s2], $0x80, v2, vm0, $0xb8;
	[tilespmem:$0x1C200] =	vst v63  }
0x18c: {  	s18 =	simm.s32 $0x19A00  }
0x18d: {  	[tilespmem:s18], [sflag:$0x7] =	stream.indirect_vreg.gather [hbm4b:s7+s2], $0x80, v2, vm0, $0xb8;
	[tilespmem:$0x1C200] =	vst v63  }
0x18e: {  	s20 =	simm.s32 $0x1A200  }
0x18f: {  	[tilespmem:s20], [sflag:$0x7] =	stream.indirect_vreg.gather [hbm4b:s8+s2], $0x80, v2, vm0, $0xb8;
	[tilespmem:$0x1C200] =	vst v63  }
0x190: {  	s24 =	simm.s32 $0x1AA00  }
0x191: {  	[tilespmem:s24], [sflag:$0x7] =	stream.indirect_vreg.gather [hbm4b:s9+s2], $0x80, v2, vm0, $0xb8;
	[tilespmem:$0x1C200] =	vst v63  }
0x192: {  	s18 =	simm.s32 $0x1B200  }
0x193: {  	[tilespmem:s18], [sflag:$0x7] =	stream.indirect_vreg.gather [hbm4b:s10+s2], $0x80, v2, vm0, $0xb8;
	[tilespmem:$0x1C200] =	vst v63  }
0x194: {  	s20 =	simm.s32 $0x1BA00;
	s24 =	simm.s32 $0x2  }
0x195: {  	[tilespmem:s20], [sflag:$0x7] =	stream.indirect_vreg.gather [hbm4b:s11+s2], $0x80, v2, vm0, $0xb8;
	[tilespmem:$0x1C200] =	vst v63  }
0x196: {  	_ =	swait.ge [sflag:s24], $0x4000  }
0x197: {  	s18 =	rddreg [dreg:$0x7];
	[sflag:s24] =	ssyncset.done $0x0  }
0x198: {  	s30 =	simm.s32 $0x4200;
	[sflag:s24] =	ssyncadd.s32 $0xFFFFC000;
	s24 =	sadd.s32 s16, s18  }
0x199: {  	[hbm4b:s24+s2] =	stream.linear.scatter [tilespmem:s30], [sflag:$0x9], $0x4000, $0x38;
	[tilespmem:$0x1C200] =	vst v63  }
0x19a: {  	_ =	swait.ge [sflag:s15], $0x4000  }
0x19b: {  	[sflag:s15] =	ssyncset.done $0x0  }
0x19c: {  	[sflag:s15] =	ssyncadd.s32 $0xFFFFC000  }
0x19d: {  	v2 =	vld.msk [tilespmem:s13+$0xFFFFFFE0], $0xff;
	_ =	sdelay $0x4  }
0x19e: {  	v3 =	vshll.u32 v2, $0x4  }
0x19f: {  	v2 =	vand.u32 $0x7, v2;
	v3 =	vand.u32 $0xFFFFFF80, v3  }
0x1a0: {  	v2 =	vor.u32 v2, v3  }
0x1a1: {  	v2 =	vperm.xlane v2, v0;
	_ =	sdelay $0x1  }
0x1a2: {  	v2 =	vadd.s32 v1, v2;
	_ =	sdelay $0x4  }
0x1a3: {  	[tilespmem:s19], [sflag:$0x1] =	stream.indirect_vreg.gather [hbm4b:s3+s2], $0x80, v2, vm0, $0xb8;
	[tilespmem:$0x1C200] =	vst v63  }
0x1a4: {  	s20 =	simm.s32 $0xA00  }
0x1a5: {  	[tilespmem:s20], [sflag:$0x1] =	stream.indirect_vreg.gather [hbm4b:s5+s2], $0x80, v2, vm0, $0xb8;
	[tilespmem:$0x1C200] =	vst v63  }
0x1a6: {  	s0 =	simm.s32 $0x1200  }
0x1a7: {  	[tilespmem:s0], [sflag:$0x1] =	stream.indirect_vreg.gather [hbm4b:s6+s2], $0x80, v2, vm0, $0xb8;
	[tilespmem:$0x1C200] =	vst v63  }
0x1a8: {  	s18 =	simm.s32 $0x1A00  }
0x1a9: {  	[tilespmem:s18], [sflag:$0x1] =	stream.indirect_vreg.gather [hbm4b:s7+s2], $0x80, v2, vm0, $0xb8;
	[tilespmem:$0x1C200] =	vst v63  }
0x1aa: {  	s19 =	simm.s32 $0x2200  }
0x1ab: {  	[tilespmem:s19], [sflag:$0x1] =	stream.indirect_vreg.gather [hbm4b:s8+s2], $0x80, v2, vm0, $0xb8;
	[tilespmem:$0x1C200] =	vst v63  }
0x1ac: {  	s20 =	simm.s32 $0x2A00  }
0x1ad: {  	[tilespmem:s20], [sflag:$0x1] =	stream.indirect_vreg.gather [hbm4b:s9+s2], $0x80, v2, vm0, $0xb8;
	[tilespmem:$0x1C200] =	vst v63  }
0x1ae: {  	s0 =	simm.s32 $0x3200  }
0x1af: {  	[tilespmem:s0], [sflag:$0x1] =	stream.indirect_vreg.gather [hbm4b:s10+s2], $0x80, v2, vm0, $0xb8;
	[tilespmem:$0x1C200] =	vst v63  }
0x1b0: {  	s18 =	simm.s32 $0x3A00;
	s19 =	simm.s32 $0x3  }
0x1b1: {  	[tilespmem:s18], [sflag:$0x1] =	stream.indirect_vreg.gather [hbm4b:s11+s2], $0x80, v2, vm0, $0xb8;
	[tilespmem:$0x1C200] =	vst v63  }
0x1b2: {  	_ =	swait.ge [sflag:s19], $0x4000  }
0x1b3: {  	s20 =	rddreg [dreg:$0xa];
	[sflag:s19] =	ssyncset.done $0x0  }
0x1b4: {  	s28 =	simm.s32 $0x8200;
	[sflag:s19] =	ssyncadd.s32 $0xFFFFC000;
	s24 =	sadd.s32 s16, s20  }
0x1b5: {  	[hbm4b:s24+s2] =	stream.linear.scatter [tilespmem:s28], [sflag:$0xA], $0x4000, $0x38;
	[tilespmem:$0x1C200] =	vst v63  }
0x1b6: {  	s24 =	simm.s32 $0x9  }
0x1b7: {  	_ =	swait.ge [sflag:s24], $0x4000  }
0x1b8: {  	[sflag:s24] =	ssyncset.done $0x0  }
0x1b9: {  	[sflag:s24] =	ssyncadd.s32 $0xFFFFC000  }
0x1ba: {  	v2 =	vld.msk [tilespmem:s13+$0xFFFFFFE8], $0xff;
	_ =	sdelay $0x4  }
0x1bb: {  	v3 =	vshll.u32 v2, $0x4  }
0x1bc: {  	v2 =	vand.u32 $0x7, v2;
	v3 =	vand.u32 $0xFFFFFF80, v3  }
0x1bd: {  	v2 =	vor.u32 v2, v3  }
0x1be: {  	v2 =	vperm.xlane v2, v0;
	_ =	sdelay $0x1  }
0x1bf: {  	v2 =	vadd.s32 v1, v2;
	_ =	sdelay $0x4  }
0x1c0: {  	[tilespmem:s30], [sflag:$0x2] =	stream.indirect_vreg.gather [hbm4b:s3+s2], $0x80, v2, vm0, $0xb8;
	[tilespmem:$0x1C200] =	vst v63  }
0x1c1: {  	s18 =	simm.s32 $0x4A00  }
0x1c2: {  	[tilespmem:s18], [sflag:$0x2] =	stream.indirect_vreg.gather [hbm4b:s5+s2], $0x80, v2, vm0, $0xb8;
	[tilespmem:$0x1C200] =	vst v63  }
0x1c3: {  	s20 =	simm.s32 $0x5200  }
0x1c4: {  	[tilespmem:s20], [sflag:$0x2] =	stream.indirect_vreg.gather [hbm4b:s6+s2], $0x80, v2, vm0, $0xb8;
	[tilespmem:$0x1C200] =	vst v63  }
0x1c5: {  	s24 =	simm.s32 $0x5A00  }
0x1c6: {  	[tilespmem:s24], [sflag:$0x2] =	stream.indirect_vreg.gather [hbm4b:s7+s2], $0x80, v2, vm0, $0xb8;
	[tilespmem:$0x1C200] =	vst v63  }
0x1c7: {  	s18 =	simm.s32 $0x6200  }
0x1c8: {  	[tilespmem:s18], [sflag:$0x2] =	stream.indirect_vreg.gather [hbm4b:s8+s2], $0x80, v2, vm0, $0xb8;
	[tilespmem:$0x1C200] =	vst v63  }
0x1c9: {  	s20 =	simm.s32 $0x6A00  }
0x1ca: {  	[tilespmem:s20], [sflag:$0x2] =	stream.indirect_vreg.gather [hbm4b:s9+s2], $0x80, v2, vm0, $0xb8;
	[tilespmem:$0x1C200] =	vst v63  }
0x1cb: {  	s24 =	simm.s32 $0x7200  }
0x1cc: {  	[tilespmem:s24], [sflag:$0x2] =	stream.indirect_vreg.gather [hbm4b:s10+s2], $0x80, v2, vm0, $0xb8;
	[tilespmem:$0x1C200] =	vst v63  }
0x1cd: {  	s18 =	simm.s32 $0x7A00  }
0x1ce: {  	[tilespmem:s18], [sflag:$0x2] =	stream.indirect_vreg.gather [hbm4b:s11+s2], $0x80, v2, vm0, $0xb8;
	[tilespmem:$0x1C200] =	vst v63  }
0x1cf: {  	_ =	swait.ge [sflag:s22], $0x4000  }
0x1d0: {  	s20 =	rddreg [dreg:$0x9];
	[sflag:s22] =	ssyncset.done $0x0  }
0x1d1: {  	s0 =	simm.s32 $0xC200;
	[sflag:s22] =	ssyncadd.s32 $0xFFFFC000;
	s24 =	sadd.s32 s16, s20  }
0x1d2: {  	[hbm4b:s24+s2] =	stream.linear.scatter [tilespmem:s0], [sflag:$0xB], $0x4000, $0x38;
	[tilespmem:$0x1C200] =	vst v63  }
0x1d3: {  	_ =	swait.ge [sflag:s23], $0x4000  }
0x1d4: {  	[sflag:s23] =	ssyncset.done $0x0  }
0x1d5: {  	[sflag:s23] =	ssyncadd.s32 $0xFFFFC000  }
0x1d6: {  	v2 =	vld.msk [tilespmem:s13+$0xFFFFFFF0], $0xff;
	_ =	sdelay $0x4  }
0x1d7: {  	v3 =	vshll.u32 v2, $0x4  }
0x1d8: {  	v2 =	vand.u32 $0x7, v2;
	v3 =	vand.u32 $0xFFFFFF80, v3  }
0x1d9: {  	v2 =	vor.u32 v2, v3  }
0x1da: {  	v2 =	vperm.xlane v2, v0;
	_ =	sdelay $0x1  }
0x1db: {  	v2 =	vadd.s32 v1, v2;
	_ =	sdelay $0x4  }
0x1dc: {  	[tilespmem:s28], [sflag:$0x3] =	stream.indirect_vreg.gather [hbm4b:s3+s2], $0x80, v2, vm0, $0xb8;
	[tilespmem:$0x1C200] =	vst v63  }
0x1dd: {  	s28 =	simm.s32 $0x8A00  }
0x1de: {  	[tilespmem:s28], [sflag:$0x3] =	stream.indirect_vreg.gather [hbm4b:s5+s2], $0x80, v2, vm0, $0xb8;
	[tilespmem:$0x1C200] =	vst v63  }
0x1df: {  	s18 =	simm.s32 $0x9200  }
0x1e0: {  	[tilespmem:s18], [sflag:$0x3] =	stream.indirect_vreg.gather [hbm4b:s6+s2], $0x80, v2, vm0, $0xb8;
	[tilespmem:$0x1C200] =	vst v63  }
0x1e1: {  	s24 =	simm.s32 $0x9A00  }
0x1e2: {  	[tilespmem:s24], [sflag:$0x3] =	stream.indirect_vreg.gather [hbm4b:s7+s2], $0x80, v2, vm0, $0xb8;
	[tilespmem:$0x1C200] =	vst v63  }
0x1e3: {  	s20 =	simm.s32 $0xA200  }
0x1e4: {  	[tilespmem:s20], [sflag:$0x3] =	stream.indirect_vreg.gather [hbm4b:s8+s2], $0x80, v2, vm0, $0xb8;
	[tilespmem:$0x1C200] =	vst v63  }
0x1e5: {  	s24 =	simm.s32 $0xAA00  }
0x1e6: {  	[tilespmem:s24], [sflag:$0x3] =	stream.indirect_vreg.gather [hbm4b:s9+s2], $0x80, v2, vm0, $0xb8;
	[tilespmem:$0x1C200] =	vst v63  }
0x1e7: {  	s20 =	simm.s32 $0xB200  }
0x1e8: {  	[tilespmem:s20], [sflag:$0x3] =	stream.indirect_vreg.gather [hbm4b:s10+s2], $0x80, v2, vm0, $0xb8;
	[tilespmem:$0x1C200] =	vst v63  }
0x1e9: {  	s24 =	simm.s32 $0xBA00  }
0x1ea: {  	[tilespmem:s24], [sflag:$0x3] =	stream.indirect_vreg.gather [hbm4b:s11+s2], $0x80, v2, vm0, $0xb8;
	[tilespmem:$0x1C200] =	vst v63  }
0x1eb: {  	_ =	swait.ge [sflag:s25], $0x4000  }
0x1ec: {  	s20 =	rddreg [dreg:$0x8];
	[sflag:s25] =	ssyncset.done $0x0  }
0x1ed: {  	[sflag:s25] =	ssyncadd.s32 $0xFFFFC000;
	s24 =	sadd.s32 s16, s20;
	s20 =	simm.s32 $0x10200  }
0x1ee: {  	[hbm4b:s24+s2] =	stream.linear.scatter [tilespmem:s20], [sflag:$0xC], $0x4000, $0x38;
	[tilespmem:$0x1C200] =	vst v63  }
0x1ef: {  	_ =	swait.ge [sflag:s1], $0x4000  }
0x1f0: {  	[sflag:s1] =	ssyncset.done $0x0  }
0x1f1: {  	[sflag:s1] =	ssyncadd.s32 $0xFFFFC000  }
0x1f2: {  	v2 =	vld.msk [tilespmem:s13+$0xFFFFFFF8], $0xff;
	_ =	sdelay $0x4  }
0x1f3: {  	v3 =	vshll.u32 v2, $0x4  }
0x1f4: {  	v2 =	vand.u32 $0x7, v2;
	v3 =	vand.u32 $0xFFFFFF80, v3  }
0x1f5: {  	v2 =	vor.u32 v2, v3  }
0x1f6: {  	v2 =	vperm.xlane v2, v0;
	_ =	sdelay $0x1  }
0x1f7: {  	v2 =	vadd.s32 v1, v2;
	_ =	sdelay $0x4  }
0x1f8: {  	[tilespmem:s0], [sflag:$0x4] =	stream.indirect_vreg.gather [hbm4b:s3+s2], $0x80, v2, vm0, $0xb8;
	[tilespmem:$0x1C200] =	vst v63  }
0x1f9: {  	s0 =	simm.s32 $0xCA00  }
0x1fa: {  	[tilespmem:s0], [sflag:$0x4] =	stream.indirect_vreg.gather [hbm4b:s5+s2], $0x80, v2, vm0, $0xb8;
	[tilespmem:$0x1C200] =	vst v63  }
0x1fb: {  	s24 =	simm.s32 $0xD200  }
0x1fc: {  	[tilespmem:s24], [sflag:$0x4] =	stream.indirect_vreg.gather [hbm4b:s6+s2], $0x80, v2, vm0, $0xb8;
	[tilespmem:$0x1C200] =	vst v63  }
0x1fd: {  	s24 =	simm.s32 $0xDA00  }
0x1fe: {  	[tilespmem:s24], [sflag:$0x4] =	stream.indirect_vreg.gather [hbm4b:s7+s2], $0x80, v2, vm0, $0xb8;
	[tilespmem:$0x1C200] =	vst v63  }
0x1ff: {  	s24 =	simm.s32 $0xE200  }
0x200: {  	[tilespmem:s24], [sflag:$0x4] =	stream.indirect_vreg.gather [hbm4b:s8+s2], $0x80, v2, vm0, $0xb8;
	[tilespmem:$0x1C200] =	vst v63  }
0x201: {  	s24 =	simm.s32 $0xEA00  }
0x202: {  	[tilespmem:s24], [sflag:$0x4] =	stream.indirect_vreg.gather [hbm4b:s9+s2], $0x80, v2, vm0, $0xb8;
	[tilespmem:$0x1C200] =	vst v63  }
0x203: {  	s24 =	simm.s32 $0xF200  }
0x204: {  	[tilespmem:s24], [sflag:$0x4] =	stream.indirect_vreg.gather [hbm4b:s10+s2], $0x80, v2, vm0, $0xb8;
	[tilespmem:$0x1C200] =	vst v63  }
0x205: {  	s24 =	simm.s32 $0xFA00  }
0x206: {  	[tilespmem:s24], [sflag:$0x4] =	stream.indirect_vreg.gather [hbm4b:s11+s2], $0x80, v2, vm0, $0xb8;
	[tilespmem:$0x1C200] =	vst v63  }
0x207: {  	_ =	swait.ge [sflag:s12], $0x4000  }
0x208: {  	s24 =	rddreg [dreg:$0x4];
	[sflag:s12] =	ssyncset.done $0x0  }
0x209: {  	[sflag:s12] =	ssyncadd.s32 $0xFFFFC000;
	s24 =	sadd.s32 s16, s24  }
0x20a: {  	[hbm4b:s24+s2] =	stream.linear.scatter [tilespmem:s14], [sflag:$0xD], $0x4000, $0x38;
	[tilespmem:$0x1C200] =	vst v63  }
0x20b: {  	_ =	swait.ge [sflag:s29], $0x4000  }
0x20c: {  	[sflag:s29] =	ssyncset.done $0x0  }
0x20d: {  	[sflag:s29] =	ssyncadd.s32 $0xFFFFC000  }
0x20e: {  	v2 =	vld.msk [tilespmem:s13+$0x0], $0xff;
	_ =	sdelay $0x4  }
0x20f: {  	v3 =	vshll.u32 v2, $0x4  }
0x210: {  	v2 =	vand.u32 $0x7, v2;
	v3 =	vand.u32 $0xFFFFFF80, v3  }
0x211: {  	v2 =	vor.u32 v2, v3  }
0x212: {  	v2 =	vperm.xlane v2, v0;
	_ =	sdelay $0x1  }
0x213: {  	v2 =	vadd.s32 v1, v2;
	_ =	sdelay $0x4  }
0x214: {  	[tilespmem:s20], [sflag:$0x5] =	stream.indirect_vreg.gather [hbm4b:s3+s2], $0x80, v2, vm0, $0xb8;
	[tilespmem:$0x1C200] =	vst v63  }
0x215: {  	s20 =	simm.s32 $0x10A00  }
0x216: {  	[tilespmem:s20], [sflag:$0x5] =	stream.indirect_vreg.gather [hbm4b:s5+s2], $0x80, v2, vm0, $0xb8;
	[tilespmem:$0x1C200] =	vst v63  }
0x217: {  	s24 =	simm.s32 $0x11200  }
0x218: {  	[tilespmem:s24], [sflag:$0x5] =	stream.indirect_vreg.gather [hbm4b:s6+s2], $0x80, v2, vm0, $0xb8;
	[tilespmem:$0x1C200] =	vst v63  }
0x219: {  	s24 =	simm.s32 $0x11A00  }
0x21a: {  	[tilespmem:s24], [sflag:$0x5] =	stream.indirect_vreg.gather [hbm4b:s7+s2], $0x80, v2, vm0, $0xb8;
	[tilespmem:$0x1C200] =	vst v63  }
0x21b: {  	s24 =	simm.s32 $0x12200  }
0x21c: {  	[tilespmem:s24], [sflag:$0x5] =	stream.indirect_vreg.gather [hbm4b:s8+s2], $0x80, v2, vm0, $0xb8;
	[tilespmem:$0x1C200] =	vst v63  }
0x21d: {  	s24 =	simm.s32 $0x12A00  }
0x21e: {  	[tilespmem:s24], [sflag:$0x5] =	stream.indirect_vreg.gather [hbm4b:s9+s2], $0x80, v2, vm0, $0xb8;
	[tilespmem:$0x1C200] =	vst v63  }
0x21f: {  	s24 =	simm.s32 $0x13200  }
0x220: {  	[tilespmem:s24], [sflag:$0x5] =	stream.indirect_vreg.gather [hbm4b:s10+s2], $0x80, v2, vm0, $0xb8;
	[tilespmem:$0x1C200] =	vst v63  }
0x221: {  	p0 =	sne.s32 s16, $0x15000;
	s24 =	simm.s32 $0x13A00  }
0x222: {  	[tilespmem:s24], [sflag:$0x5] =	stream.indirect_vreg.gather [hbm4b:s11+s2], $0x80, v2, vm0, $0xb8;
	[tilespmem:$0x1C200] =	vst v63  }
.Ltmp0:
0x223: {  	s19 =	simm.s32 $0x4200;
	s30 =	simm.s32 $0x8200;
	(pc) =	sbr.rel @p0 .LBB2_2-.Ltmp0, $4  }
0x224: {  	s18 =	simm.s32 $0xC200;
	s14 =	simm.s32 $0x10200;
	_ =	swait.ge [sflag:s31], $0x4000  }
0x225: {  	s13 =	sadd.s32 $0x38, s13;
	s24 =	rddreg [dreg:$0x5];
	[sflag:s31] =	ssyncset.done $0x0  }
0x226: {  	[sflag:s31] =	ssyncadd.s32 $0xFFFFC000;
	s24 =	sadd.s32 s16, s24;
	s16 =	sadd.s32 $0x3800, s16  }
0x227: {  	[hbm4b:s24+s2] =	stream.linear.scatter [tilespmem:s21], [sflag:$0xE], $0x4000, $0x38;
	[tilespmem:$0x1C200] =	vst v63  }
0x228: {  	_ =	swait.ge [sflag:s4], $0x4000  }
0x229: {  	[sflag:s4] =	ssyncset.done $0x0  }
0x22a: {  	[sflag:s4] =	ssyncadd.s32 $0xFFFFC000  }
0x22b: {  	v2 =	vld.msk [tilespmem:$0x1E8], $0xff;
	_ =	sdelay $0x4  }
0x22c: {  	v3 =	vshll.u32 v2, $0x4  }
0x22d: {  	v2 =	vand.u32 $0x7, v2;
	v3 =	vand.u32 $0xFFFFFF80, v3  }
0x22e: {  	v2 =	vor.u32 v2, v3  }
0x22f: {  	v2 =	vperm.xlane v2, v0;
	_ =	sdelay $0x1  }
0x230: {  	v2 =	vadd.s32 v1, v2;
	_ =	sdelay $0x3  }
0x231: {  	s24 =	simm.s32 $0x14200  }
0x232: {  	[tilespmem:s24], [sflag:$0x6] =	stream.indirect_vreg.gather [hbm4b:s3+s2], $0x80, v2, vm0, $0xb8;
	[tilespmem:$0x1C200] =	vst v63  }
0x233: {  	s13 =	simm.s32 $0x14A00  }
0x234: {  	[tilespmem:s13], [sflag:$0x6] =	stream.indirect_vreg.gather [hbm4b:s5+s2], $0x80, v2, vm0, $0xb8;
	[tilespmem:$0x1C200] =	vst v63  }
0x235: {  	s21 =	simm.s32 $0x15200  }
0x236: {  	[tilespmem:s21], [sflag:$0x6] =	stream.indirect_vreg.gather [hbm4b:s6+s2], $0x80, v2, vm0, $0xb8;
	[tilespmem:$0x1C200] =	vst v63  }
0x237: {  	s16 =	simm.s32 $0x15A00  }
0x238: {  	[tilespmem:s16], [sflag:$0x6] =	stream.indirect_vreg.gather [hbm4b:s7+s2], $0x80, v2, vm0, $0xb8;
	[tilespmem:$0x1C200] =	vst v63  }
0x239: {  	s21 =	simm.s32 $0x16200  }
0x23a: {  	[tilespmem:s21], [sflag:$0x6] =	stream.indirect_vreg.gather [hbm4b:s8+s2], $0x80, v2, vm0, $0xb8;
	[tilespmem:$0x1C200] =	vst v63  }
0x23b: {  	s16 =	simm.s32 $0x16A00  }
0x23c: {  	[tilespmem:s16], [sflag:$0x6] =	stream.indirect_vreg.gather [hbm4b:s9+s2], $0x80, v2, vm0, $0xb8;
	[tilespmem:$0x1C200] =	vst v63  }
0x23d: {  	s21 =	simm.s32 $0x17200  }
0x23e: {  	[tilespmem:s21], [sflag:$0x6] =	stream.indirect_vreg.gather [hbm4b:s10+s2], $0x80, v2, vm0, $0xb8;
	[tilespmem:$0x1C200] =	vst v63  }
0x23f: {  	s16 =	simm.s32 $0x17A00  }
0x240: {  	[tilespmem:s16], [sflag:$0x6] =	stream.indirect_vreg.gather [hbm4b:s11+s2], $0x80, v2, vm0, $0xb8;
	[tilespmem:$0x1C200] =	vst v63  }
0x241: {  	_ =	swait.ge [sflag:s26], $0x4000  }
0x242: {  	[sflag:s26] =	ssyncset.done $0x0  }
0x243: {  	s16 =	simm.s32 $0x200;
	s21 =	rddreg [dreg:$0x13];
	[sflag:s26] =	ssyncadd.s32 $0xFFFFC000  }
0x244: {  	[hbm4b:s21+s2] =	stream.linear.scatter [tilespmem:s16], [sflag:$0x8], $0x4000, $0x38;
	[tilespmem:$0x1C200] =	vst v63  }
0x245: {  	_ =	swait.ge [sflag:s17], $0x4000  }
0x246: {  	[sflag:s17] =	ssyncset.done $0x0  }
0x247: {  	[sflag:s17] =	ssyncadd.s32 $0xFFFFC000  }
0x248: {  	v2 =	vld.msk [tilespmem:$0x1F0], $0xff;
	_ =	sdelay $0x4  }
0x249: {  	v3 =	vshll.u32 v2, $0x4  }
0x24a: {  	v2 =	vand.u32 $0x7, v2;
	v3 =	vand.u32 $0xFFFFFF80, v3  }
0x24b: {  	v2 =	vor.u32 v2, v3  }
0x24c: {  	v2 =	vperm.xlane v2, v0;
	_ =	sdelay $0x1  }
0x24d: {  	v2 =	vadd.s32 v1, v2;
	_ =	sdelay $0x3  }
0x24e: {  	s21 =	simm.s32 $0x18200  }
0x24f: {  	[tilespmem:s21], [sflag:$0x7] =	stream.indirect_vreg.gather [hbm4b:s3+s2], $0x80, v2, vm0, $0xb8;
	[tilespmem:$0x1C200] =	vst v63  }
0x250: {  	s13 =	simm.s32 $0x18A00  }
0x251: {  	[tilespmem:s13], [sflag:$0x7] =	stream.indirect_vreg.gather [hbm4b:s5+s2], $0x80, v2, vm0, $0xb8;
	[tilespmem:$0x1C200] =	vst v63  }
0x252: {  	s13 =	simm.s32 $0x19200  }
0x253: {  	[tilespmem:s13], [sflag:$0x7] =	stream.indirect_vreg.gather [hbm4b:s6+s2], $0x80, v2, vm0, $0xb8;
	[tilespmem:$0x1C200] =	vst v63  }
0x254: {  	s13 =	simm.s32 $0x19A00  }
0x255: {  	[tilespmem:s13], [sflag:$0x7] =	stream.indirect_vreg.gather [hbm4b:s7+s2], $0x80, v2, vm0, $0xb8;
	[tilespmem:$0x1C200] =	vst v63  }
0x256: {  	s13 =	simm.s32 $0x1A200  }
0x257: {  	[tilespmem:s13], [sflag:$0x7] =	stream.indirect_vreg.gather [hbm4b:s8+s2], $0x80, v2, vm0, $0xb8;
	[tilespmem:$0x1C200] =	vst v63  }
0x258: {  	s13 =	simm.s32 $0x1AA00  }
0x259: {  	[tilespmem:s13], [sflag:$0x7] =	stream.indirect_vreg.gather [hbm4b:s9+s2], $0x80, v2, vm0, $0xb8;
	[tilespmem:$0x1C200] =	vst v63  }
0x25a: {  	s13 =	simm.s32 $0x1B200  }
0x25b: {  	[tilespmem:s13], [sflag:$0x7] =	stream.indirect_vreg.gather [hbm4b:s10+s2], $0x80, v2, vm0, $0xb8;
	[tilespmem:$0x1C200] =	vst v63  }
0x25c: {  	s13 =	simm.s32 $0x1BA00  }
0x25d: {  	[tilespmem:s13], [sflag:$0x7] =	stream.indirect_vreg.gather [hbm4b:s11+s2], $0x80, v2, vm0, $0xb8;
	[tilespmem:$0x1C200] =	vst v63  }
0x25e: {  	s13 =	simm.s32 $0x2  }
0x25f: {  	_ =	swait.ge [sflag:s13], $0x4000  }
0x260: {  	[sflag:s13] =	ssyncset.done $0x0  }
0x261: {  	[sflag:s13] =	ssyncadd.s32 $0xFFFFC000;
	s13 =	rddreg [dreg:$0x14]  }
0x262: {  	[hbm4b:s13+s2] =	stream.linear.scatter [tilespmem:s19], [sflag:$0x9], $0x4000, $0x38;
	[tilespmem:$0x1C200] =	vst v63  }
0x263: {  	_ =	swait.ge [sflag:s15], $0x4000  }
0x264: {  	[sflag:s15] =	ssyncset.done $0x0  }
0x265: {  	[sflag:s15] =	ssyncadd.s32 $0xFFFFC000  }
0x266: {  	v2 =	vld.msk [tilespmem:$0x1F8], $0xff;
	_ =	sdelay $0x4  }
0x267: {  	v3 =	vshll.u32 v2, $0x4  }
0x268: {  	v2 =	vand.u32 $0x7, v2;
	v3 =	vand.u32 $0xFFFFFF80, v3  }
0x269: {  	v2 =	vor.u32 v2, v3  }
0x26a: {  	v2 =	vperm.xlane v2, v0;
	_ =	sdelay $0x1  }
0x26b: {  	v2 =	vadd.s32 v1, v2;
	_ =	sdelay $0x4  }
0x26c: {  	[tilespmem:s16], [sflag:$0x1] =	stream.indirect_vreg.gather [hbm4b:s3+s2], $0x80, v2, vm0, $0xb8;
	[tilespmem:$0x1C200] =	vst v63  }
0x26d: {  	s19 =	simm.s32 $0xA00  }
0x26e: {  	[tilespmem:s19], [sflag:$0x1] =	stream.indirect_vreg.gather [hbm4b:s5+s2], $0x80, v2, vm0, $0xb8;
	[tilespmem:$0x1C200] =	vst v63  }
0x26f: {  	s19 =	simm.s32 $0x1200  }
0x270: {  	[tilespmem:s19], [sflag:$0x1] =	stream.indirect_vreg.gather [hbm4b:s6+s2], $0x80, v2, vm0, $0xb8;
	[tilespmem:$0x1C200] =	vst v63  }
0x271: {  	s19 =	simm.s32 $0x1A00  }
0x272: {  	[tilespmem:s19], [sflag:$0x1] =	stream.indirect_vreg.gather [hbm4b:s7+s2], $0x80, v2, vm0, $0xb8;
	[tilespmem:$0x1C200] =	vst v63  }
0x273: {  	s19 =	simm.s32 $0x2200  }
0x274: {  	[tilespmem:s19], [sflag:$0x1] =	stream.indirect_vreg.gather [hbm4b:s8+s2], $0x80, v2, vm0, $0xb8;
	[tilespmem:$0x1C200] =	vst v63  }
0x275: {  	s19 =	simm.s32 $0x2A00  }
0x276: {  	[tilespmem:s19], [sflag:$0x1] =	stream.indirect_vreg.gather [hbm4b:s9+s2], $0x80, v2, vm0, $0xb8;
	[tilespmem:$0x1C200] =	vst v63  }
0x277: {  	s19 =	simm.s32 $0x3200  }
0x278: {  	[tilespmem:s19], [sflag:$0x1] =	stream.indirect_vreg.gather [hbm4b:s10+s2], $0x80, v2, vm0, $0xb8;
	[tilespmem:$0x1C200] =	vst v63  }
0x279: {  	s19 =	simm.s32 $0x3A00  }
0x27a: {  	[tilespmem:s19], [sflag:$0x1] =	stream.indirect_vreg.gather [hbm4b:s11+s2], $0x80, v2, vm0, $0xb8;
	[tilespmem:$0x1C200] =	vst v63  }
0x27b: {  	s19 =	simm.s32 $0x3  }
0x27c: {  	_ =	swait.ge [sflag:s19], $0x4000  }
0x27d: {  	[sflag:s19] =	ssyncset.done $0x0  }
0x27e: {  	[sflag:s19] =	ssyncadd.s32 $0xFFFFC000;
	s19 =	rddreg [dreg:$0x15]  }
0x27f: {  	[hbm4b:s19+s2] =	stream.linear.scatter [tilespmem:s30], [sflag:$0xA], $0x4000, $0x38;
	[tilespmem:$0x1C200] =	vst v63  }
0x280: {  	s30 =	simm.s32 $0x9  }
0x281: {  	_ =	swait.ge [sflag:s30], $0x4000  }
0x282: {  	[sflag:s30] =	ssyncset.done $0x0  }
0x283: {  	[sflag:s30] =	ssyncadd.s32 $0xFFFFC000  }
0x284: {  	_ =	swait.ge [sflag:s22], $0x4000  }
0x285: {  	[sflag:s22] =	ssyncset.done $0x0  }
0x286: {  	s19 =	rddreg [dreg:$0x16];
	[sflag:s22] =	ssyncadd.s32 $0xFFFFC000  }
0x287: {  	[hbm4b:s19+s2] =	stream.linear.scatter [tilespmem:s18], [sflag:$0xB], $0x4000, $0x38;
	[tilespmem:$0x1C200] =	vst v63  }
0x288: {  	_ =	swait.ge [sflag:s23], $0x4000  }
0x289: {  	[sflag:s23] =	ssyncset.done $0x0  }
0x28a: {  	[sflag:s23] =	ssyncadd.s32 $0xFFFFC000  }
0x28b: {  	_ =	swait.ge [sflag:s25], $0x4000  }
0x28c: {  	[sflag:s25] =	ssyncset.done $0x0  }
0x28d: {  	s30 =	rddreg [dreg:$0x17];
	[sflag:s25] =	ssyncadd.s32 $0xFFFFC000  }
0x28e: {  	[hbm4b:s30+s2] =	stream.linear.scatter [tilespmem:s14], [sflag:$0xC], $0x4000, $0x38;
	[tilespmem:$0x1C200] =	vst v63  }
0x28f: {  	_ =	swait.ge [sflag:s1], $0x4000  }
0x290: {  	[sflag:s1] =	ssyncset.done $0x0  }
0x291: {  	[sflag:s1] =	ssyncadd.s32 $0xFFFFC000  }
0x292: {  	_ =	swait.ge [sflag:s12], $0x4000  }
0x293: {  	[sflag:s12] =	ssyncset.done $0x0  }
0x294: {  	s18 =	rddreg [dreg:$0x18];
	[sflag:s12] =	ssyncadd.s32 $0xFFFFC000  }
0x295: {  	[hbm4b:s18+s2] =	stream.linear.scatter [tilespmem:s24], [sflag:$0xD], $0x4000, $0x38;
	[tilespmem:$0x1C200] =	vst v63  }
0x296: {  	_ =	swait.ge [sflag:s29], $0x4000  }
0x297: {  	[sflag:s29] =	ssyncset.done $0x0  }
0x298: {  	[sflag:s29] =	ssyncadd.s32 $0xFFFFC000  }
0x299: {  	_ =	swait.ge [sflag:s31], $0x4000  }
0x29a: {  	[sflag:s31] =	ssyncset.done $0x0  }
0x29b: {  	s19 =	rddreg [dreg:$0x1a];
	[sflag:s31] =	ssyncadd.s32 $0xFFFFC000  }
0x29c: {  	[hbm4b:s19+s2] =	stream.linear.scatter [tilespmem:s21], [sflag:$0xE], $0x4000, $0x38;
	[tilespmem:$0x1C200] =	vst v63  }
0x29d: {  	_ =	swait.ge [sflag:s4], $0x4000  }
0x29e: {  	[sflag:s4] =	ssyncset.done $0x0  }
0x29f: {  	[sflag:s4] =	ssyncadd.s32 $0xFFFFC000  }
0x2a0: {  	_ =	swait.ge [sflag:s26], $0x4000  }
0x2a1: {  	[sflag:s26] =	ssyncset.done $0x0  }
0x2a2: {  	s21 =	rddreg [dreg:$0x1b];
	[sflag:s26] =	ssyncadd.s32 $0xFFFFC000  }
0x2a3: {  	[hbm4b:s21+s2] =	stream.linear.scatter [tilespmem:s16], [sflag:$0x8], $0x4000, $0x38;
	[tilespmem:$0x1C200] =	vst v63  }
0x2a4: {  	_ =	swait.ge [sflag:s17], $0x4000  }
0x2a5: {  	[sflag:s17] =	ssyncset.done $0x0  }
0x2a6: {  	[sflag:s17] =	ssyncadd.s32 $0xFFFFC000  }
0x2a7: {  	_ =	swait.ge [sflag:s15], $0x4000  }
0x2a8: {  	s24 =	rddreg [dreg:$0x1c]  }
0x2a9: {  	s30 =	rddreg [dreg:$0x19];
	s16 =	sadd.s32 $0x1, s24  }
0x2aa: {  	p0 =	sne.s32 s16, s30  }
.Ltmp1:
0x2ab: {  	_ = 	snop;
	(pc) =	sbr.rel @p0 .LBB2_1-.Ltmp1, $3  }
0x2ac: {  	_ =	sdelay $0x1  }
0x2ad: {  	[sflag:s15] =	ssyncset.done $0x0  }
0x2ae: {  	s14 =	simm.s32 $0x11200;
	s18 =	simm.s32 $0xD200;
	[sflag:s15] =	ssyncadd.s32 $0xFFFFC000  }
0x2af: {  	_ =	sfence.sel $0x180000  }
0x2b0: {  	[bflag:$0x0] =	sbarrier.arrive $0xFFFF  }
0x2b1: {  	_ =	strace $0x90000047  }
0x2b2: {  	s0 =	stileid.u32;
	[bflag:$0x2] =	sbarrier.arrive $0xFFFF  }
0x2b3: {  	p0 =	sne.s32 s0, $0x0;
	s0 =	rddreg [dreg:$0x3]  }
0x2b4: {  	s0 =	sadd.s32 @!p0 $0x100000, s0  }
0x2b5: {  	[sflag:s0] =	ssyncadd.tile.s32 @!p0 $0x1;
	_ =	shalt  }
.Lfunc_end2:
_tile_overlayer_lowered:
.L_overlay_start_2:
0x2b6: {  	(tag) =	ssettag $0x2  }
0x2b7: {  	s0 =	rddreg [dreg:$0x0];
	s2 =	stileid.u32  }
0x2b8: {  	s1 =	rddreg [dreg:$0x1];
	p0 =	sne.s32 s2, $0x0  }
0x2b9: {  	s3 =	rddreg [dreg:$0x2];
	[bflag:$0x3] =	sbarrier.arrive $0xFFFF;
	s2 =	simm.s32 @!p0 $0x1C0F  }
0x2ba: {  	[timem:s3], [sflag:s2] =	dma.local @!p0 [hbm:s0], s1  }
0x2bb: {  	s0 =	simm.s32 @!p0 $0xF  }
0x2bc: {  	_ =	swait.ge @!p0 [sflag:s0], s1  }
0x2bd: {  	s1 =	ssub.s32 @!p0 $0x0, s1;
	[sflag:s0] =	ssyncset.done @!p0 $0x0  }
0x2be: {  	[sflag:s0] =	ssyncadd.s32 @!p0 s1  }
0x2bf: {  	[bflag:$0x3] =	sbarrier.arrive $0xFFFF  }
0x2c0: {  	_ =	shalt  }

</sc_bundles>
